<compile_context>
chip_gen: v7x
topology: tpu7x:2x2x1
jax: 0.10.2.dev20260603
libtpu: 0.0.44.dev20260713+nightly
codegen_flags: <defaults>
</compile_context>

<pallas_src>
import jax
import jax.numpy as jnp
from jax import lax
from jax.experimental import pallas as pl
from jax.experimental.pallas import tpu as pltpu
from jax.experimental.pallas import tpu_sc as plsc

B = 16384
N_SPARSE = 26
N_DENSE = 13
VOCAB = 100000
EDIM = 16
HID1 = 256
HID2 = 128
N_FEAT = N_SPARSE + N_DENSE
SPARSE_DIM = N_SPARSE * EDIM

NC = 2
NSUB = 16
NW = NC * NSUB
PPW = SPARSE_DIM // NW
ICH = 2048
NICH = B // ICH

TB = 1024


def _sc_gather_body(idx_hbm, tab_hbm, out_hbm, vec_v, idx_v, row_v,
                    ssem, osem0, osem1):
    wid = lax.axis_index("s") * NC + lax.axis_index("c")
    osems = (osem0, osem1)

    def per_pair(k, carry):
        p = wid * PPW + k
        f = p // EDIM
        pltpu.async_copy(tab_hbm.at[p], vec_v, ssem).wait()

        def per_block_pair(jj, carry2):
            for s in range(2):
                j = jj * 2 + s
                b0 = j * ICH
                pltpu.sync_copy(idx_hbm.at[f, pl.ds(b0, ICH)], idx_v.at[s])

                @plsc.parallel_loop(0, ICH, step=16, unroll=16)
                def _gather(i, s=s):
                    sl = pl.ds(i, 16)
                    iv = idx_v[s, sl]
                    row_v[s, sl] = plsc.load_gather(vec_v, [iv])

                @pl.when(j >= 2)
                def _(s=s, b0=b0):
                    pltpu.make_async_copy(
                        row_v.at[s], out_hbm.at[p, pl.ds(b0 - 2 * ICH, ICH)],
                        osems[s]).wait()
                pltpu.async_copy(row_v.at[s], out_hbm.at[p, pl.ds(b0, ICH)],
                                 osems[s])
            return carry2
        lax.fori_loop(0, NICH // 2, per_block_pair, 0)

        for jb in range(2):
            b_last = (NICH - 2 + jb) * ICH
            pltpu.make_async_copy(
                row_v.at[jb], out_hbm.at[p, pl.ds(b_last, ICH)],
                osems[jb]).wait()
        return carry
    lax.fori_loop(0, PPW, per_pair, 0)


def _sc_gather(idx_t, tab2):
    mesh = plsc.VectorSubcoreMesh(core_axis_name="c", subcore_axis_name="s",
                                  num_cores=NC, num_subcores=NSUB)
    f = pl.kernel(
        _sc_gather_body,
        out_type=jax.ShapeDtypeStruct((SPARSE_DIM, B), jnp.float32),
        mesh=mesh,
        compiler_params=pltpu.CompilerParams(use_tc_tiling_on_sc=True,
                                             needs_layout_passes=False),
        scratch_types=[
            pltpu.VMEM((VOCAB,), jnp.float32),
            pltpu.VMEM((2, ICH), jnp.int32),
            pltpu.VMEM((2, ICH), jnp.float32),
            pltpu.SemaphoreType.DMA,
            pltpu.SemaphoreType.DMA,
            pltpu.SemaphoreType.DMA,
        ],
    )
    return f(idx_t, tab2)


def _mlp_body(embT_ref, xT_ref, wlin_ref, blin_ref, w1e_ref, w1d_ref, b1_ref,
              w2_ref, b2_ref, wout_ref, o_ref):
    hi = jax.lax.Precision.HIGHEST
    xT = xT_ref[...]
    embT = embT_ref[...]
    xdT = xT[N_SPARSE:, :]

    wide = jnp.maximum(
        jnp.dot(wlin_ref[...], xT, precision=hi,
                preferred_element_type=jnp.float32) + blin_ref[...], 0.0)

    h1 = jnp.dot(w1e_ref[...], embT,
                 preferred_element_type=jnp.float32)
    h1 = h1 + jnp.dot(w1d_ref[...], xdT, precision=hi,
                      preferred_element_type=jnp.float32)
    h1 = jnp.maximum(h1 + b1_ref[...], 0.0)

    h2 = jnp.maximum(
        jnp.dot(w2_ref[...], h1,
                preferred_element_type=jnp.float32) + b2_ref[...], 0.0)

    z = wide + jnp.dot(wout_ref[...], h2,
                       preferred_element_type=jnp.float32)
    o_ref[...] = 1.0 / (1.0 + jnp.exp(-z))


def _mlp(embT, XT, wlin, blin, w1e, w1d, b1, w2, b2, wout):
    full = lambda shape: pl.BlockSpec(shape, lambda i: (0, 0))
    return pl.pallas_call(
        _mlp_body,
        grid=(B // TB,),
        in_specs=[
            pl.BlockSpec((SPARSE_DIM, TB), lambda i: (0, i)),
            pl.BlockSpec((N_FEAT, TB), lambda i: (0, i)),
            full((1, N_FEAT)),
            full((1, 1)),
            full((HID1, SPARSE_DIM)),
            full((HID1, N_DENSE)),
            full((HID1, 1)),
            full((HID2, HID1)),
            full((HID2, 1)),
            full((1, HID2)),
        ],
        out_specs=pl.BlockSpec((1, TB), lambda i: (0, i)),
        out_shape=jax.ShapeDtypeStruct((1, B), jnp.float32),
    )(embT, XT, wlin, blin, w1e, w1d, b1, w2, b2, wout)


def kernel(X, tables, W_lin, b_lin, W1, b1, W2, b2, W_out):
    idx_t = X[:, :N_SPARSE].astype(jnp.int32).T
    tab2 = jnp.swapaxes(tables, 1, 2).reshape(SPARSE_DIM, VOCAB)

    embT = _sc_gather(idx_t, tab2)

    XT = X.T
    y = _mlp(embT, XT,
             W_lin, b_lin.reshape(1, 1),
             W1[:, :SPARSE_DIM], W1[:, SPARSE_DIM:], b1.reshape(HID1, 1),
             W2, b2.reshape(HID2, 1),
             W_out)
    return y.reshape(B, 1)

# --- scband reference (transcript-rebuilt; emitter-appended) ---
"""Pipeline reference for scband-wide-deep-17729624998358 (READ-ONLY COPY).

The authoritative reference and input builder live on the scoring server;
editing this copy changes nothing except your own understanding.
"""

import jax, jax.numpy as jnp
import numpy as np

B = 16384
N_SPARSE = 26
N_DENSE = 13
VOCAB = 100000
EDIM = 16
HID1 = 256
HID2 = 128
DNN_IN = N_DENSE + EDIM * N_SPARSE  # 429
N_FEAT = N_SPARSE + N_DENSE  # 39


def setup_inputs(seed: int = 0) -> dict:
    key = jax.random.key(seed)
    ks = jax.random.split(key, 10)
    # X: float tensor; first 26 columns are sparse ids (cast to int in forward), last 13 dense
    X = jax.random.randint(ks[0], (B, N_FEAT), 0, VOCAB).astype(jnp.float32)
    # 26 embedding tables of shape [VOCAB, EDIM], stacked (torch nn.Embedding default init N(0,1))
    tables = jax.random.normal(ks[1], (N_SPARSE, VOCAB, EDIM), dtype=jnp.float32)
    # wide linear: Linear(39, 1), weight init N(0, 1e-5)
    W_lin = jax.random.normal(ks[2], (1, N_FEAT), dtype=jnp.float32) * 1e-5
    b_lin = jnp.zeros((1,), dtype=jnp.float32)
    # DNN: 429 -> 256 -> 128, weights init N(0, 1e-4)
    W1 = jax.random.normal(ks[3], (HID1, DNN_IN), dtype=jnp.float32) * 1e-4
    b1 = jnp.zeros((HID1,), dtype=jnp.float32)
    W2 = jax.random.normal(ks[4], (HID2, HID1), dtype=jnp.float32) * 1e-4
    b2 = jnp.zeros((HID2,), dtype=jnp.float32)
    # dnn_linear: Linear(128, 1, bias=False)
    W_out = jax.random.normal(ks[5], (1, HID2), dtype=jnp.float32) * 0.05
    return {"X": X, "tables": tables, "W_lin": W_lin, "b_lin": b_lin,
            "W1": W1, "b1": b1, "W2": W2, "b2": b2, "W_out": W_out}


def reference(X, tables, W_lin, b_lin, W1, b1, W2, b2, W_out):
    # wide part: one Linear + ReLU (dropout is identity in eval)
    logit = jax.nn.relu(X @ W_lin.T + b_lin)  # [B, 1]
    # sparse embedding lookups (SparseCore gather)
    idx = X[:, :N_SPARSE].astype(jnp.int32)  # [B, 26]
    emb = jnp.stack([jnp.take(tables[f], idx[:, f], axis=0) for f in range(N_SPARSE)], axis=1)  # [B, 26, 16]
    sparse_input = emb.reshape(X.shape[0], -1)  # [B, 416]
    dense_input = X[:, N_SPARSE:]  # [B, 13]
    dnn_input = jnp.concatenate([sparse_input, dense_input], axis=1)  # [B, 429]
    # deep part (note: original DNN has 'fc - dropout(fc)' no-op, so dropout never applied)
    h = jax.nn.relu(dnn_input @ W1.T + b1)
    h = jax.nn.relu(h @ W2.T + b2)
    dnn_logit = h @ W_out.T  # [B, 1]
    y_pred = jax.nn.sigmoid(logit + dnn_logit)
    return y_pred

if __name__ == "__main__":
    import jax
    _d = setup_inputs()
    print(jax.jit(kernel)(*tuple(_d.values())))

</pallas_src>

<mosaic_0001>
#map = affine_map<(d0, d1) -> (0, 0)>
module attributes {stable_mosaic.version = 14 : i64} {
  func.func @_sc_gather_body(%arg0: i32, %arg1: i32, %arg2: memref<26x16384xi32, #tpu.memory_space<hbm>>, %arg3: memref<416x100000xf32, #tpu.memory_space<hbm>>, %arg4: memref<416x16384xf32, #tpu.memory_space<hbm>>, %arg5: memref<100000xf32, #tpu.memory_space<vmem>>, %arg6: memref<2x2048xi32, #tpu.memory_space<vmem>>, %arg7: memref<2x2048xf32, #tpu.memory_space<vmem>>, %arg8: memref<!tpu.dma_semaphore, #tpu.memory_space<semaphore_mem>>, %arg9: memref<!tpu.dma_semaphore, #tpu.memory_space<semaphore_mem>>, %arg10: memref<!tpu.dma_semaphore, #tpu.memory_space<semaphore_mem>>) attributes {dimension_semantics = [#tpu.dimension_semantics<core_parallel>, #tpu.dimension_semantics<subcore_parallel>], iteration_bounds = array<i64: 2, 16>, scalar_prefetch = 0 : i64, scratch_operands = 6 : i64, tpu.core_type = #tpu.core_type<sc_vector_subcore>, window_params = [{transform_indices = #map}, {transform_indices = #map}, {transform_indices = #map}]} {
    %mul3A = arith.constant 2 : i32
    %mul3A_0 = arith.muli %arg1, %mul3A : i32
    %add3A = arith.addi %mul3A_0, %arg0 : i32
    %scan3A = arith.constant 0 : i32
    %scan3A_1 = arith.constant 0 : i32
    %scan3A_2 = arith.constant 13 : i32
    %scan3A_3 = arith.addi %scan3A_1, %scan3A_2 : i32
    %scan3A_4 = arith.constant 1 : i32
    scf.for %scan3A_6 = %scan3A_1 to %scan3A_3 step %scan3A_4  : i32 {
      %mul3A_7 = arith.constant 13 : i32
      %mul3A_8 = arith.muli %add3A, %mul3A_7 : i32
      %add3A_9 = arith.addi %mul3A_8, %scan3A_6 : i32
      %jit3A = arith.constant 16 : i32
      %div3A = arith.divsi %add3A_9, %jit3A : i32
      %sign3A = arith.constant 0 : i32
      %sign3A_10 = arith.cmpi sgt, %add3A_9, %sign3A : i32
      %sign3A_11 = arith.extui %sign3A_10 : i1 to i32
      %sign3A_12 = arith.constant 0 : i32
      %sign3A_13 = arith.cmpi slt, %add3A_9, %sign3A_12 : i32
      %sign3A_14 = arith.extui %sign3A_13 : i1 to i32
      %sign3A_15 = arith.subi %sign3A_11, %sign3A_14 : i32
      %sign3A_16 = arith.constant 0 : i32
      %sign3A_17 = arith.cmpi sgt, %jit3A, %sign3A_16 : i32
      %sign3A_18 = arith.extui %sign3A_17 : i1 to i32
      %sign3A_19 = arith.constant 0 : i32
      %sign3A_20 = arith.cmpi slt, %jit3A, %sign3A_19 : i32
      %sign3A_21 = arith.extui %sign3A_20 : i1 to i32
      %sign3A_22 = arith.subi %sign3A_18, %sign3A_21 : i32
      %ne3A = arith.cmpi ne, %sign3A_15, %sign3A_22 : i32
      %rem3A = arith.remsi %add3A_9, %jit3A : i32
      %ne3A_23 = arith.constant 0 : i32
      %ne3A_24 = arith.cmpi ne, %rem3A, %ne3A_23 : i32
      %and3A = arith.andi %ne3A, %ne3A_24 : i1
      %sub3A = arith.constant 1 : i32
      %sub3A_25 = arith.subi %div3A, %sub3A : i32
      %select_n3A = arith.select %and3A, %sub3A_25, %div3A : i32
      %dma_start3A = arith.constant 0 : i32
      %dma_start3A_26 = tpu.memref_slice %arg3[%add3A_9, %dma_start3A] : memref<416x100000xf32, #tpu.memory_space<hbm>> -> memref<1x100000xf32, #tpu.memory_space<hbm>>
      %dma_start3A_27 = tpu.memref_squeeze %dma_start3A_26 : memref<1x100000xf32, #tpu.memory_space<hbm>> -> memref<100000xf32, #tpu.memory_space<hbm>>
      %dma_start3A_28 = arith.constant 0 : i32
      %dma_start3A_29 = tpu.memref_slice %arg3[%add3A_9, %dma_start3A_28] : memref<416x100000xf32, #tpu.memory_space<hbm>> -> memref<1x100000xf32, #tpu.memory_space<hbm>>
      %dma_start3A_30 = tpu.memref_squeeze %dma_start3A_29 : memref<1x100000xf32, #tpu.memory_space<hbm>> -> memref<100000xf32, #tpu.memory_space<hbm>>
      tpu.enqueue_dma source(%dma_start3A_30 : memref<100000xf32, #tpu.memory_space<hbm>>) target(%arg5 : memref<100000xf32, #tpu.memory_space<vmem>>) target_semaphore(%arg8 : memref<!tpu.dma_semaphore, #tpu.memory_space<semaphore_mem>>)
      %dma_wait3A = arith.constant 0 : i32
      %dma_wait3A_31 = tpu.memref_slice %arg3[%add3A_9, %dma_wait3A] : memref<416x100000xf32, #tpu.memory_space<hbm>> -> memref<1x100000xf32, #tpu.memory_space<hbm>>
      %dma_wait3A_32 = tpu.memref_squeeze %dma_wait3A_31 : memref<1x100000xf32, #tpu.memory_space<hbm>> -> memref<100000xf32, #tpu.memory_space<hbm>>
      %dma_wait3A_33 = arith.constant 0 : i32
      %dma_wait3A_34 = tpu.memref_slice %arg3[%add3A_9, %dma_wait3A_33] : memref<416x100000xf32, #tpu.memory_space<hbm>> -> memref<1x100000xf32, #tpu.memory_space<hbm>>
      %dma_wait3A_35 = tpu.memref_squeeze %dma_wait3A_34 : memref<1x100000xf32, #tpu.memory_space<hbm>> -> memref<100000xf32, #tpu.memory_space<hbm>>
      tpu.wait_dma2 semaphore(%arg8 : memref<!tpu.dma_semaphore, #tpu.memory_space<semaphore_mem>>) src(%dma_wait3A_35 : memref<100000xf32, #tpu.memory_space<hbm>>) dst(%arg5 : memref<100000xf32, #tpu.memory_space<vmem>>)
      %scan3A_36 = arith.constant 0 : i32
      %scan3A_37 = arith.constant 0 : i32
      %scan3A_38 = arith.constant 4 : i32
      %scan3A_39 = arith.addi %scan3A_37, %scan3A_38 : i32
      %scan3A_40 = arith.constant 1 : i32
      scf.for %scan3A_68 = %scan3A_37 to %scan3A_39 step %scan3A_40  : i32 {
        %mul3A_69 = arith.constant 2 : i32
        %mul3A_70 = arith.muli %scan3A_68, %mul3A_69 : i32
        %add3A_71 = arith.constant 0 : i32
        %add3A_72 = arith.addi %mul3A_70, %add3A_71 : i32
        %mul3A_73 = arith.constant 2048 : i32
        %mul3A_74 = arith.muli %add3A_72, %mul3A_73 : i32
        %run_scoped3A = arith.constant 0 : i32
        "tpu.region"() ({
          %run_scoped3A_116 = tpu.sem_alloc : memref<!tpu.dma_semaphore, #tpu.memory_space<semaphore_mem>>
          %dma_start3A_117 = arith.constant 0 : i32
          %dma_start3A_118 = tpu.memref_slice %arg6[%run_scoped3A, %dma_start3A_117] : memref<2x2048xi32, #tpu.memory_space<vmem>> -> memref<1x2048xi32, #tpu.memory_space<vmem>>
          %dma_start3A_119 = tpu.memref_squeeze %dma_start3A_118 : memref<1x2048xi32, #tpu.memory_space<vmem>> -> memref<2048xi32, #tpu.memory_space<vmem>>
          %dma_start3A_120 = tpu.memref_slice %arg2[%select_n3A, %mul3A_74] : memref<26x16384xi32, #tpu.memory_space<hbm>> -> memref<1x2048xi32, #tpu.memory_space<hbm>>
          %dma_start3A_121 = tpu.memref_squeeze %dma_start3A_120 : memref<1x2048xi32, #tpu.memory_space<hbm>> -> memref<2048xi32, #tpu.memory_space<hbm>>
          %dma_start3A_122 = arith.constant 0 : i32
          %dma_start3A_123 = tpu.memref_slice %arg6[%run_scoped3A, %dma_start3A_122] : memref<2x2048xi32, #tpu.memory_space<vmem>> -> memref<1x2048xi32, #tpu.memory_space<vmem>>
          %dma_start3A_124 = tpu.memref_squeeze %dma_start3A_123 : memref<1x2048xi32, #tpu.memory_space<vmem>> -> memref<2048xi32, #tpu.memory_space<vmem>>
          %dma_start3A_125 = tpu.memref_slice %arg2[%select_n3A, %mul3A_74] : memref<26x16384xi32, #tpu.memory_space<hbm>> -> memref<1x2048xi32, #tpu.memory_space<hbm>>
          %dma_start3A_126 = tpu.memref_squeeze %dma_start3A_125 : memref<1x2048xi32, #tpu.memory_space<hbm>> -> memref<2048xi32, #tpu.memory_space<hbm>>
          tpu.enqueue_dma source(%dma_start3A_126 : memref<2048xi32, #tpu.memory_space<hbm>>) target(%dma_start3A_124 : memref<2048xi32, #tpu.memory_space<vmem>>) target_semaphore(%run_scoped3A_116 : memref<!tpu.dma_semaphore, #tpu.memory_space<semaphore_mem>>)
          %dma_wait3A_127 = arith.constant 0 : i32
          %dma_wait3A_128 = tpu.memref_slice %arg6[%run_scoped3A, %dma_wait3A_127] : memref<2x2048xi32, #tpu.memory_space<vmem>> -> memref<1x2048xi32, #tpu.memory_space<vmem>>
          %dma_wait3A_129 = tpu.memref_squeeze %dma_wait3A_128 : memref<1x2048xi32, #tpu.memory_space<vmem>> -> memref<2048xi32, #tpu.memory_space<vmem>>
          %dma_wait3A_130 = tpu.memref_slice %arg2[%select_n3A, %mul3A_74] : memref<26x16384xi32, #tpu.memory_space<hbm>> -> memref<1x2048xi32, #tpu.memory_space<hbm>>
          %dma_wait3A_131 = tpu.memref_squeeze %dma_wait3A_130 : memref<1x2048xi32, #tpu.memory_space<hbm>> -> memref<2048xi32, #tpu.memory_space<hbm>>
          %dma_wait3A_132 = arith.constant 0 : i32
          %dma_wait3A_133 = tpu.memref_slice %arg6[%run_scoped3A, %dma_wait3A_132] : memref<2x2048xi32, #tpu.memory_space<vmem>> -> memref<1x2048xi32, #tpu.memory_space<vmem>>
          %dma_wait3A_134 = tpu.memref_squeeze %dma_wait3A_133 : memref<1x2048xi32, #tpu.memory_space<vmem>> -> memref<2048xi32, #tpu.memory_space<vmem>>
          %dma_wait3A_135 = tpu.memref_slice %arg2[%select_n3A, %mul3A_74] : memref<26x16384xi32, #tpu.memory_space<hbm>> -> memref<1x2048xi32, #tpu.memory_space<hbm>>
          %dma_wait3A_136 = tpu.memref_squeeze %dma_wait3A_135 : memref<1x2048xi32, #tpu.memory_space<hbm>> -> memref<2048xi32, #tpu.memory_space<hbm>>
          tpu.wait_dma2 semaphore(%run_scoped3A_116 : memref<!tpu.dma_semaphore, #tpu.memory_space<semaphore_mem>>) src(%dma_wait3A_136 : memref<2048xi32, #tpu.memory_space<hbm>>) dst(%dma_wait3A_134 : memref<2048xi32, #tpu.memory_space<vmem>>)
          tpu.yield
        }) : () -> ()
        %parallel_loop3A = arith.constant 0 : i32
        %parallel_loop3A_75 = arith.constant 2048 : i32
        %parallel_loop3A_76 = arith.constant 16 : i32
        scf.for %parallel_loop3A_116 = %parallel_loop3A to %parallel_loop3A_75 step %parallel_loop3A_76  : i32 {
          %parallel_loop3A_117 = arith.constant 0 : i32
          %parallel_loop3A_118 = arith.index_cast %parallel_loop3A_117 : i32 to index
          %parallel_loop3A_119 = arith.index_cast %parallel_loop3A_116 : i32 to index
          %parallel_loop3A_120 = tpu.vector_load %arg6[%parallel_loop3A_118, %parallel_loop3A_119] {strides = array<i32>} : memref<2x2048xi32, #tpu.memory_space<vmem>>, vector<16xi32>,
          %parallel_loop3A_121 = tpu.vector_load_idx %arg5[%parallel_loop3A_120] : memref<100000xf32, #tpu.memory_space<vmem>>[vector<16xi32>], vector<16xf32>,
          %parallel_loop3A_122 = arith.constant 0 : i32
          %parallel_loop3A_123 = arith.index_cast %parallel_loop3A_122 : i32 to index
          %parallel_loop3A_124 = arith.index_cast %parallel_loop3A_116 : i32 to index
          %parallel_loop3A_125 = tpu.vector_load %arg7[%parallel_loop3A_123, %parallel_loop3A_124] {strides = array<i32>} : memref<2x2048xf32, #tpu.memory_space<vmem>>, vector<16xf32>,
          tpu.vector_store %arg7[%parallel_loop3A_123, %parallel_loop3A_124], %parallel_loop3A_121 {strides = array<i32>} : memref<2x2048xf32, #tpu.memory_space<vmem>>, vector<16xf32>,
        } {sc.loop_unroll_factor = 16 : i64, sc.parallel_access}
        %ge3A = arith.constant 2 : i32
        %ge3A_77 = arith.cmpi sge, %add3A_72, %ge3A : i32
        %convert_element_type3A = arith.extui %ge3A_77 : i1 to i32
        %cond3A = arith.constant 0 : i32
        %cond3A_78 = arith.cmpi ne, %convert_element_type3A, %cond3A : i32
        scf.if %cond3A_78 {
          %sub3A_116 = arith.constant 4096 : i32
          %sub3A_117 = arith.subi %mul3A_74, %sub3A_116 : i32
          %dma_wait3A_118 = arith.constant 0 : i32
          %dma_wait3A_119 = arith.constant 0 : i32
          %dma_wait3A_120 = tpu.memref_slice %arg7[%dma_wait3A_118, %dma_wait3A_119] : memref<2x2048xf32, #tpu.memory_space<vmem>> -> memref<1x2048xf32, #tpu.memory_space<vmem>>
          %dma_wait3A_121 = tpu.memref_squeeze %dma_wait3A_120 : memref<1x2048xf32, #tpu.memory_space<vmem>> -> memref<2048xf32, #tpu.memory_space<vmem>>
          %dma_wait3A_122 = tpu.memref_slice %arg4[%add3A_9, %sub3A_117] : memref<416x16384xf32, #tpu.memory_space<hbm>> -> memref<1x2048xf32, #tpu.memory_space<hbm>>
          %dma_wait3A_123 = tpu.memref_squeeze %dma_wait3A_122 : memref<1x2048xf32, #tpu.memory_space<hbm>> -> memref<2048xf32, #tpu.memory_space<hbm>>
          %dma_wait3A_124 = tpu.memref_slice %arg4[%add3A_9, %sub3A_117] : memref<416x16384xf32, #tpu.memory_space<hbm>> -> memref<1x2048xf32, #tpu.memory_space<hbm>>
          %dma_wait3A_125 = tpu.memref_squeeze %dma_wait3A_124 : memref<1x2048xf32, #tpu.memory_space<hbm>> -> memref<2048xf32, #tpu.memory_space<hbm>>
          %dma_wait3A_126 = arith.constant 0 : i32
          %dma_wait3A_127 = tpu.memref_slice %arg7[%dma_wait3A_118, %dma_wait3A_126] : memref<2x2048xf32, #tpu.memory_space<vmem>> -> memref<1x2048xf32, #tpu.memory_space<vmem>>
          %dma_wait3A_128 = tpu.memref_squeeze %dma_wait3A_127 : memref<1x2048xf32, #tpu.memory_space<vmem>> -> memref<2048xf32, #tpu.memory_space<vmem>>
          tpu.wait_dma2 semaphore(%arg9 : memref<!tpu.dma_semaphore, #tpu.memory_space<semaphore_mem>>) src(%dma_wait3A_128 : memref<2048xf32, #tpu.memory_space<vmem>>) dst(%dma_wait3A_125 : memref<2048xf32, #tpu.memory_space<hbm>>)
        } else {
        }
        %dma_start3A_79 = arith.constant 0 : i32
        %dma_start3A_80 = arith.constant 0 : i32
        %dma_start3A_81 = tpu.memref_slice %arg7[%dma_start3A_79, %dma_start3A_80] : memref<2x2048xf32, #tpu.memory_space<vmem>> -> memref<1x2048xf32, #tpu.memory_space<vmem>>
        %dma_start3A_82 = tpu.memref_squeeze %dma_start3A_81 : memref<1x2048xf32, #tpu.memory_space<vmem>> -> memref<2048xf32, #tpu.memory_space<vmem>>
        %dma_start3A_83 = tpu.memref_slice %arg4[%add3A_9, %mul3A_74] : memref<416x16384xf32, #tpu.memory_space<hbm>> -> memref<1x2048xf32, #tpu.memory_space<hbm>>
        %dma_start3A_84 = tpu.memref_squeeze %dma_start3A_83 : memref<1x2048xf32, #tpu.memory_space<hbm>> -> memref<2048xf32, #tpu.memory_space<hbm>>
        %dma_start3A_85 = tpu.memref_slice %arg4[%add3A_9, %mul3A_74] : memref<416x16384xf32, #tpu.memory_space<hbm>> -> memref<1x2048xf32, #tpu.memory_space<hbm>>
        %dma_start3A_86 = tpu.memref_squeeze %dma_start3A_85 : memref<1x2048xf32, #tpu.memory_space<hbm>> -> memref<2048xf32, #tpu.memory_space<hbm>>
        %dma_start3A_87 = arith.constant 0 : i32
        %dma_start3A_88 = tpu.memref_slice %arg7[%dma_start3A_79, %dma_start3A_87] : memref<2x2048xf32, #tpu.memory_space<vmem>> -> memref<1x2048xf32, #tpu.memory_space<vmem>>
        %dma_start3A_89 = tpu.memref_squeeze %dma_start3A_88 : memref<1x2048xf32, #tpu.memory_space<vmem>> -> memref<2048xf32, #tpu.memory_space<vmem>>
        tpu.enqueue_dma source(%dma_start3A_89 : memref<2048xf32, #tpu.memory_space<vmem>>) target(%dma_start3A_86 : memref<2048xf32, #tpu.memory_space<hbm>>) target_semaphore(%arg9 : memref<!tpu.dma_semaphore, #tpu.memory_space<semaphore_mem>>)
        %mul3A_90 = arith.constant 2 : i32
        %mul3A_91 = arith.muli %scan3A_68, %mul3A_90 : i32
        %add3A_92 = arith.constant 1 : i32
        %add3A_93 = arith.addi %mul3A_91, %add3A_92 : i32
        %mul3A_94 = arith.constant 2048 : i32
        %mul3A_95 = arith.muli %add3A_93, %mul3A_94 : i32
        %run_scoped3A_96 = arith.constant 1 : i32
        "tpu.region"() ({
          %run_scoped3A_116 = tpu.sem_alloc : memref<!tpu.dma_semaphore, #tpu.memory_space<semaphore_mem>>
          %dma_start3A_117 = arith.constant 0 : i32
          %dma_start3A_118 = tpu.memref_slice %arg6[%run_scoped3A_96, %dma_start3A_117] : memref<2x2048xi32, #tpu.memory_space<vmem>> -> memref<1x2048xi32, #tpu.memory_space<vmem>>
          %dma_start3A_119 = tpu.memref_squeeze %dma_start3A_118 : memref<1x2048xi32, #tpu.memory_space<vmem>> -> memref<2048xi32, #tpu.memory_space<vmem>>
          %dma_start3A_120 = tpu.memref_slice %arg2[%select_n3A, %mul3A_95] : memref<26x16384xi32, #tpu.memory_space<hbm>> -> memref<1x2048xi32, #tpu.memory_space<hbm>>
          %dma_start3A_121 = tpu.memref_squeeze %dma_start3A_120 : memref<1x2048xi32, #tpu.memory_space<hbm>> -> memref<2048xi32, #tpu.memory_space<hbm>>
          %dma_start3A_122 = arith.constant 0 : i32
          %dma_start3A_123 = tpu.memref_slice %arg6[%run_scoped3A_96, %dma_start3A_122] : memref<2x2048xi32, #tpu.memory_space<vmem>> -> memref<1x2048xi32, #tpu.memory_space<vmem>>
          %dma_start3A_124 = tpu.memref_squeeze %dma_start3A_123 : memref<1x2048xi32, #tpu.memory_space<vmem>> -> memref<2048xi32, #tpu.memory_space<vmem>>
          %dma_start3A_125 = tpu.memref_slice %arg2[%select_n3A, %mul3A_95] : memref<26x16384xi32, #tpu.memory_space<hbm>> -> memref<1x2048xi32, #tpu.memory_space<hbm>>
          %dma_start3A_126 = tpu.memref_squeeze %dma_start3A_125 : memref<1x2048xi32, #tpu.memory_space<hbm>> -> memref<2048xi32, #tpu.memory_space<hbm>>
          tpu.enqueue_dma source(%dma_start3A_126 : memref<2048xi32, #tpu.memory_space<hbm>>) target(%dma_start3A_124 : memref<2048xi32, #tpu.memory_space<vmem>>) target_semaphore(%run_scoped3A_116 : memref<!tpu.dma_semaphore, #tpu.memory_space<semaphore_mem>>)
          %dma_wait3A_127 = arith.constant 0 : i32
          %dma_wait3A_128 = tpu.memref_slice %arg6[%run_scoped3A_96, %dma_wait3A_127] : memref<2x2048xi32, #tpu.memory_space<vmem>> -> memref<1x2048xi32, #tpu.memory_space<vmem>>
          %dma_wait3A_129 = tpu.memref_squeeze %dma_wait3A_128 : memref<1x2048xi32, #tpu.memory_space<vmem>> -> memref<2048xi32, #tpu.memory_space<vmem>>
          %dma_wait3A_130 = tpu.memref_slice %arg2[%select_n3A, %mul3A_95] : memref<26x16384xi32, #tpu.memory_space<hbm>> -> memref<1x2048xi32, #tpu.memory_space<hbm>>
          %dma_wait3A_131 = tpu.memref_squeeze %dma_wait3A_130 : memref<1x2048xi32, #tpu.memory_space<hbm>> -> memref<2048xi32, #tpu.memory_space<hbm>>
          %dma_wait3A_132 = arith.constant 0 : i32
          %dma_wait3A_133 = tpu.memref_slice %arg6[%run_scoped3A_96, %dma_wait3A_132] : memref<2x2048xi32, #tpu.memory_space<vmem>> -> memref<1x2048xi32, #tpu.memory_space<vmem>>
          %dma_wait3A_134 = tpu.memref_squeeze %dma_wait3A_133 : memref<1x2048xi32, #tpu.memory_space<vmem>> -> memref<2048xi32, #tpu.memory_space<vmem>>
          %dma_wait3A_135 = tpu.memref_slice %arg2[%select_n3A, %mul3A_95] : memref<26x16384xi32, #tpu.memory_space<hbm>> -> memref<1x2048xi32, #tpu.memory_space<hbm>>
          %dma_wait3A_136 = tpu.memref_squeeze %dma_wait3A_135 : memref<1x2048xi32, #tpu.memory_space<hbm>> -> memref<2048xi32, #tpu.memory_space<hbm>>
          tpu.wait_dma2 semaphore(%run_scoped3A_116 : memref<!tpu.dma_semaphore, #tpu.memory_space<semaphore_mem>>) src(%dma_wait3A_136 : memref<2048xi32, #tpu.memory_space<hbm>>) dst(%dma_wait3A_134 : memref<2048xi32, #tpu.memory_space<vmem>>)
          tpu.yield
        }) : () -> ()
        %parallel_loop3A_97 = arith.constant 0 : i32
        %parallel_loop3A_98 = arith.constant 2048 : i32
        %parallel_loop3A_99 = arith.constant 16 : i32
        scf.for %parallel_loop3A_116 = %parallel_loop3A_97 to %parallel_loop3A_98 step %parallel_loop3A_99  : i32 {
          %parallel_loop3A_117 = arith.constant 1 : i32
          %parallel_loop3A_118 = arith.index_cast %parallel_loop3A_117 : i32 to index
          %parallel_loop3A_119 = arith.index_cast %parallel_loop3A_116 : i32 to index
          %parallel_loop3A_120 = tpu.vector_load %arg6[%parallel_loop3A_118, %parallel_loop3A_119] {strides = array<i32>} : memref<2x2048xi32, #tpu.memory_space<vmem>>, vector<16xi32>,
          %parallel_loop3A_121 = tpu.vector_load_idx %arg5[%parallel_loop3A_120] : memref<100000xf32, #tpu.memory_space<vmem>>[vector<16xi32>], vector<16xf32>,
          %parallel_loop3A_122 = arith.constant 1 : i32
          %parallel_loop3A_123 = arith.index_cast %parallel_loop3A_122 : i32 to index
          %parallel_loop3A_124 = arith.index_cast %parallel_loop3A_116 : i32 to index
          %parallel_loop3A_125 = tpu.vector_load %arg7[%parallel_loop3A_123, %parallel_loop3A_124] {strides = array<i32>} : memref<2x2048xf32, #tpu.memory_space<vmem>>, vector<16xf32>,
          tpu.vector_store %arg7[%parallel_loop3A_123, %parallel_loop3A_124], %parallel_loop3A_121 {strides = array<i32>} : memref<2x2048xf32, #tpu.memory_space<vmem>>, vector<16xf32>,
        } {sc.loop_unroll_factor = 16 : i64, sc.parallel_access}
        %ge3A_100 = arith.constant 2 : i32
        %ge3A_101 = arith.cmpi sge, %add3A_93, %ge3A_100 : i32
        %convert_element_type3A_102 = arith.extui %ge3A_101 : i1 to i32
        %cond3A_103 = arith.constant 0 : i32
        %cond3A_104 = arith.cmpi ne, %convert_element_type3A_102, %cond3A_103 : i32
        scf.if %cond3A_104 {
          %sub3A_116 = arith.constant 4096 : i32
          %sub3A_117 = arith.subi %mul3A_95, %sub3A_116 : i32
          %dma_wait3A_118 = arith.constant 1 : i32
          %dma_wait3A_119 = arith.constant 0 : i32
          %dma_wait3A_120 = tpu.memref_slice %arg7[%dma_wait3A_118, %dma_wait3A_119] : memref<2x2048xf32, #tpu.memory_space<vmem>> -> memref<1x2048xf32, #tpu.memory_space<vmem>>
          %dma_wait3A_121 = tpu.memref_squeeze %dma_wait3A_120 : memref<1x2048xf32, #tpu.memory_space<vmem>> -> memref<2048xf32, #tpu.memory_space<vmem>>
          %dma_wait3A_122 = tpu.memref_slice %arg4[%add3A_9, %sub3A_117] : memref<416x16384xf32, #tpu.memory_space<hbm>> -> memref<1x2048xf32, #tpu.memory_space<hbm>>
          %dma_wait3A_123 = tpu.memref_squeeze %dma_wait3A_122 : memref<1x2048xf32, #tpu.memory_space<hbm>> -> memref<2048xf32, #tpu.memory_space<hbm>>
          %dma_wait3A_124 = tpu.memref_slice %arg4[%add3A_9, %sub3A_117] : memref<416x16384xf32, #tpu.memory_space<hbm>> -> memref<1x2048xf32, #tpu.memory_space<hbm>>
          %dma_wait3A_125 = tpu.memref_squeeze %dma_wait3A_124 : memref<1x2048xf32, #tpu.memory_space<hbm>> -> memref<2048xf32, #tpu.memory_space<hbm>>
          %dma_wait3A_126 = arith.constant 0 : i32
          %dma_wait3A_127 = tpu.memref_slice %arg7[%dma_wait3A_118, %dma_wait3A_126] : memref<2x2048xf32, #tpu.memory_space<vmem>> -> memref<1x2048xf32, #tpu.memory_space<vmem>>
          %dma_wait3A_128 = tpu.memref_squeeze %dma_wait3A_127 : memref<1x2048xf32, #tpu.memory_space<vmem>> -> memref<2048xf32, #tpu.memory_space<vmem>>
          tpu.wait_dma2 semaphore(%arg10 : memref<!tpu.dma_semaphore, #tpu.memory_space<semaphore_mem>>) src(%dma_wait3A_128 : memref<2048xf32, #tpu.memory_space<vmem>>) dst(%dma_wait3A_125 : memref<2048xf32, #tpu.memory_space<hbm>>)
        } else {
        }
        %dma_start3A_105 = arith.constant 1 : i32
        %dma_start3A_106 = arith.constant 0 : i32
        %dma_start3A_107 = tpu.memref_slice %arg7[%dma_start3A_105, %dma_start3A_106] : memref<2x2048xf32, #tpu.memory_space<vmem>> -> memref<1x2048xf32, #tpu.memory_space<vmem>>
        %dma_start3A_108 = tpu.memref_squeeze %dma_start3A_107 : memref<1x2048xf32, #tpu.memory_space<vmem>> -> memref<2048xf32, #tpu.memory_space<vmem>>
        %dma_start3A_109 = tpu.memref_slice %arg4[%add3A_9, %mul3A_95] : memref<416x16384xf32, #tpu.memory_space<hbm>> -> memref<1x2048xf32, #tpu.memory_space<hbm>>
        %dma_start3A_110 = tpu.memref_squeeze %dma_start3A_109 : memref<1x2048xf32, #tpu.memory_space<hbm>> -> memref<2048xf32, #tpu.memory_space<hbm>>
        %dma_start3A_111 = tpu.memref_slice %arg4[%add3A_9, %mul3A_95] : memref<416x16384xf32, #tpu.memory_space<hbm>> -> memref<1x2048xf32, #tpu.memory_space<hbm>>
        %dma_start3A_112 = tpu.memref_squeeze %dma_start3A_111 : memref<1x2048xf32, #tpu.memory_space<hbm>> -> memref<2048xf32, #tpu.memory_space<hbm>>
        %dma_start3A_113 = arith.constant 0 : i32
        %dma_start3A_114 = tpu.memref_slice %arg7[%dma_start3A_105, %dma_start3A_113] : memref<2x2048xf32, #tpu.memory_space<vmem>> -> memref<1x2048xf32, #tpu.memory_space<vmem>>
        %dma_start3A_115 = tpu.memref_squeeze %dma_start3A_114 : memref<1x2048xf32, #tpu.memory_space<vmem>> -> memref<2048xf32, #tpu.memory_space<vmem>>
        tpu.enqueue_dma source(%dma_start3A_115 : memref<2048xf32, #tpu.memory_space<vmem>>) target(%dma_start3A_112 : memref<2048xf32, #tpu.memory_space<hbm>>) target_semaphore(%arg10 : memref<!tpu.dma_semaphore, #tpu.memory_space<semaphore_mem>>)
      }
      %scan3A_41 = arith.constant 4 : i32
      %dma_wait3A_42 = arith.constant 0 : i32
      %dma_wait3A_43 = arith.constant 0 : i32
      %dma_wait3A_44 = tpu.memref_slice %arg7[%dma_wait3A_42, %dma_wait3A_43] : memref<2x2048xf32, #tpu.memory_space<vmem>> -> memref<1x2048xf32, #tpu.memory_space<vmem>>
      %dma_wait3A_45 = tpu.memref_squeeze %dma_wait3A_44 : memref<1x2048xf32, #tpu.memory_space<vmem>> -> memref<2048xf32, #tpu.memory_space<vmem>>
      %dma_wait3A_46 = arith.constant 12288 : i32
      %dma_wait3A_47 = tpu.memref_slice %arg4[%add3A_9, %dma_wait3A_46] : memref<416x16384xf32, #tpu.memory_space<hbm>> -> memref<1x2048xf32, #tpu.memory_space<hbm>>
      %dma_wait3A_48 = tpu.memref_squeeze %dma_wait3A_47 : memref<1x2048xf32, #tpu.memory_space<hbm>> -> memref<2048xf32, #tpu.memory_space<hbm>>
      %dma_wait3A_49 = arith.constant 12288 : i32
      %dma_wait3A_50 = tpu.memref_slice %arg4[%add3A_9, %dma_wait3A_49] : memref<416x16384xf32, #tpu.memory_space<hbm>> -> memref<1x2048xf32, #tpu.memory_space<hbm>>
      %dma_wait3A_51 = tpu.memref_squeeze %dma_wait3A_50 : memref<1x2048xf32, #tpu.memory_space<hbm>> -> memref<2048xf32, #tpu.memory_space<hbm>>
      %dma_wait3A_52 = arith.constant 0 : i32
      %dma_wait3A_53 = tpu.memref_slice %arg7[%dma_wait3A_42, %dma_wait3A_52] : memref<2x2048xf32, #tpu.memory_space<vmem>> -> memref<1x2048xf32, #tpu.memory_space<vmem>>
      %dma_wait3A_54 = tpu.memref_squeeze %dma_wait3A_53 : memref<1x2048xf32, #tpu.memory_space<vmem>> -> memref<2048xf32, #tpu.memory_space<vmem>>
      tpu.wait_dma2 semaphore(%arg9 : memref<!tpu.dma_semaphore, #tpu.memory_space<semaphore_mem>>) src(%dma_wait3A_54 : memref<2048xf32, #tpu.memory_space<vmem>>) dst(%dma_wait3A_51 : memref<2048xf32, #tpu.memory_space<hbm>>)
      %dma_wait3A_55 = arith.constant 1 : i32
      %dma_wait3A_56 = arith.constant 0 : i32
      %dma_wait3A_57 = tpu.memref_slice %arg7[%dma_wait3A_55, %dma_wait3A_56] : memref<2x2048xf32, #tpu.memory_space<vmem>> -> memref<1x2048xf32, #tpu.memory_space<vmem>>
      %dma_wait3A_58 = tpu.memref_squeeze %dma_wait3A_57 : memref<1x2048xf32, #tpu.memory_space<vmem>> -> memref<2048xf32, #tpu.memory_space<vmem>>
      %dma_wait3A_59 = arith.constant 14336 : i32
      %dma_wait3A_60 = tpu.memref_slice %arg4[%add3A_9, %dma_wait3A_59] : memref<416x16384xf32, #tpu.memory_space<hbm>> -> memref<1x2048xf32, #tpu.memory_space<hbm>>
      %dma_wait3A_61 = tpu.memref_squeeze %dma_wait3A_60 : memref<1x2048xf32, #tpu.memory_space<hbm>> -> memref<2048xf32, #tpu.memory_space<hbm>>
      %dma_wait3A_62 = arith.constant 14336 : i32
      %dma_wait3A_63 = tpu.memref_slice %arg4[%add3A_9, %dma_wait3A_62] : memref<416x16384xf32, #tpu.memory_space<hbm>> -> memref<1x2048xf32, #tpu.memory_space<hbm>>
      %dma_wait3A_64 = tpu.memref_squeeze %dma_wait3A_63 : memref<1x2048xf32, #tpu.memory_space<hbm>> -> memref<2048xf32, #tpu.memory_space<hbm>>
      %dma_wait3A_65 = arith.constant 0 : i32
      %dma_wait3A_66 = tpu.memref_slice %arg7[%dma_wait3A_55, %dma_wait3A_65] : memref<2x2048xf32, #tpu.memory_space<vmem>> -> memref<1x2048xf32, #tpu.memory_space<vmem>>
      %dma_wait3A_67 = tpu.memref_squeeze %dma_wait3A_66 : memref<1x2048xf32, #tpu.memory_space<vmem>> -> memref<2048xf32, #tpu.memory_space<vmem>>
      tpu.wait_dma2 semaphore(%arg10 : memref<!tpu.dma_semaphore, #tpu.memory_space<semaphore_mem>>) src(%dma_wait3A_67 : memref<2048xf32, #tpu.memory_space<vmem>>) dst(%dma_wait3A_64 : memref<2048xf32, #tpu.memory_space<hbm>>)
    }
    %scan3A_5 = arith.constant 13 : i32
    return
  }
}

module attributes {stable_mosaic.version = 14 : i64} {
  func.func @_mlp_body(%arg0: i32, %arg1: memref<416x1024xf32, #tpu.memory_space<vmem>>, %arg2: memref<39x1024xf32, #tpu.memory_space<vmem>>, %arg3: memref<1x39xf32, #tpu.memory_space<vmem>>, %arg4: memref<1x1xf32, #tpu.memory_space<vmem>>, %arg5: memref<256x416xf32, #tpu.memory_space<vmem>>, %arg6: memref<256x13xf32, #tpu.memory_space<vmem>>, %arg7: memref<256x1xf32, #tpu.memory_space<vmem>>, %arg8: memref<128x256xf32, #tpu.memory_space<vmem>>, %arg9: memref<128x1xf32, #tpu.memory_space<vmem>>, %arg10: memref<1x128xf32, #tpu.memory_space<vmem>>, %arg11: memref<1x1024xf32, #tpu.memory_space<vmem>>) attributes {dimension_semantics = [#tpu.dimension_semantics<arbitrary>], iteration_bounds = array<i64: 16>, scalar_prefetch = 0 : i64, scratch_operands = 0 : i64, tpu.core_type = #tpu.core_type<tc>, window_params = [{transform_indices = @transform_0, window_bounds = array<i64: 416, 1024>}, {transform_indices = @transform_1, window_bounds = array<i64: 39, 1024>}, {pipeline_mode = #tpu.pipeline_mode<synchronous>, transform_indices = @transform_2, window_bounds = array<i64: 1, 39>}, {pipeline_mode = #tpu.pipeline_mode<synchronous>, transform_indices = @transform_3, window_bounds = array<i64: 1, 1>}, {pipeline_mode = #tpu.pipeline_mode<synchronous>, transform_indices = @transform_4, window_bounds = array<i64: 256, 416>}, {pipeline_mode = #tpu.pipeline_mode<synchronous>, transform_indices = @transform_5, window_bounds = array<i64: 256, 13>}, {pipeline_mode = #tpu.pipeline_mode<synchronous>, transform_indices = @transform_6, window_bounds = array<i64: 256, 1>}, {pipeline_mode = #tpu.pipeline_mode<synchronous>, transform_indices = @transform_7, window_bounds = array<i64: 128, 256>}, {pipeline_mode = #tpu.pipeline_mode<synchronous>, transform_indices = @transform_8, window_bounds = array<i64: 128, 1>}, {pipeline_mode = #tpu.pipeline_mode<synchronous>, transform_indices = @transform_9, window_bounds = array<i64: 1, 128>}, {transform_indices = @transform_10, window_bounds = array<i64: 1, 1024>}]} {
    %get3A = arith.constant 0 : index
    %get3A_0 = arith.constant 0 : index
    %get3A_1 = vector.load %arg2[%get3A, %get3A_0] : memref<39x1024xf32, #tpu.memory_space<vmem>>, vector<39x1024xf32>
    %get3A_2 = arith.constant 0 : index
    %get3A_3 = arith.constant 0 : index
    %get3A_4 = vector.load %arg1[%get3A_2, %get3A_3] : memref<416x1024xf32, #tpu.memory_space<vmem>>, vector<416x1024xf32>
    %slice3A = vector.extract_strided_slice %get3A_1 {offsets = [26, 0], sizes = [13, 1024], strides = [1, 1]} : vector<39x1024xf32> to vector<13x1024xf32>
    %get3A_5 = arith.constant 0 : index
    %get3A_6 = arith.constant 0 : index
    %get3A_7 = vector.load %arg3[%get3A_5, %get3A_6] : memref<1x39xf32, #tpu.memory_space<vmem>>, vector<1x39xf32>
    %dot_general3A = arith.constant dense<0.000000e+00> : vector<1x1024xf32>
    %dot_general3A_8 = tpu.matmul %get3A_7, %get3A_1, %dot_general3A {dimension_numbers = #tpu.dot_dimension_numbers<[1], [0], [0], [1], [0, 0, 1, 1], [], []>, precision = #tpu.contract_precision<fp32>, transpose_lhs_hint = false} : vector<1x39xf32>, vector<39x1024xf32>, vector<1x1024xf32> -> vector<1x1024xf32>
    %get3A_9 = arith.constant 0 : index
    %get3A_10 = arith.constant 0 : index
    %get3A_11 = vector.load %arg4[%get3A_9, %get3A_10] : memref<1x1xf32, #tpu.memory_space<vmem>>, vector<1x1xf32>
    %add3A = vector.broadcast %get3A_11 : vector<1x1xf32> to vector<1x1024xf32>
    %add3A_12 = arith.addf %dot_general3A_8, %add3A : vector<1x1024xf32>
    %max3A = arith.constant 0.000000e+00 : f32
    %max3A_13 = vector.broadcast %max3A : f32 to vector<1x1024xf32>
    %max3A_14 = arith.maximumf %add3A_12, %max3A_13 : vector<1x1024xf32>
    %get3A_15 = arith.constant 0 : index
    %get3A_16 = arith.constant 0 : index
    %get3A_17 = vector.load %arg5[%get3A_15, %get3A_16] : memref<256x416xf32, #tpu.memory_space<vmem>>, vector<256x416xf32>
    %dot_general3A_18 = arith.constant dense<0.000000e+00> : vector<256x1024xf32>
    %dot_general3A_19 = tpu.matmul %get3A_17, %get3A_4, %dot_general3A_18 {dimension_numbers = #tpu.dot_dimension_numbers<[1], [0], [0], [1], [0, 0, 1, 1], [], []>, transpose_lhs_hint = false} : vector<256x416xf32>, vector<416x1024xf32>, vector<256x1024xf32> -> vector<256x1024xf32>
    %get3A_20 = arith.constant 0 : index
    %get3A_21 = arith.constant 0 : index
    %get3A_22 = vector.load %arg6[%get3A_20, %get3A_21] : memref<256x13xf32, #tpu.memory_space<vmem>>, vector<256x13xf32>
    %dot_general3A_23 = arith.constant dense<0.000000e+00> : vector<256x1024xf32>
    %dot_general3A_24 = tpu.matmul %get3A_22, %slice3A, %dot_general3A_23 {dimension_numbers = #tpu.dot_dimension_numbers<[1], [0], [0], [1], [0, 0, 1, 1], [], []>, precision = #tpu.contract_precision<fp32>, transpose_lhs_hint = false} : vector<256x13xf32>, vector<13x1024xf32>, vector<256x1024xf32> -> vector<256x1024xf32>
    %add3A_25 = arith.addf %dot_general3A_19, %dot_general3A_24 : vector<256x1024xf32>
    %get3A_26 = arith.constant 0 : index
    %get3A_27 = arith.constant 0 : index
    %get3A_28 = vector.load %arg7[%get3A_26, %get3A_27] : memref<256x1xf32, #tpu.memory_space<vmem>>, vector<256x1xf32>
    %add3A_29 = vector.broadcast %get3A_28 : vector<256x1xf32> to vector<256x1024xf32>
    %add3A_30 = arith.addf %add3A_25, %add3A_29 : vector<256x1024xf32>
    %max3A_31 = arith.constant 0.000000e+00 : f32
    %max3A_32 = vector.broadcast %max3A_31 : f32 to vector<256x1024xf32>
    %max3A_33 = arith.maximumf %add3A_30, %max3A_32 : vector<256x1024xf32>
    %get3A_34 = arith.constant 0 : index
    %get3A_35 = arith.constant 0 : index
    %get3A_36 = vector.load %arg8[%get3A_34, %get3A_35] : memref<128x256xf32, #tpu.memory_space<vmem>>, vector<128x256xf32>
    %dot_general3A_37 = arith.constant dense<0.000000e+00> : vector<128x1024xf32>
    %dot_general3A_38 = tpu.matmul %get3A_36, %max3A_33, %dot_general3A_37 {dimension_numbers = #tpu.dot_dimension_numbers<[1], [0], [0], [1], [0, 0, 1, 1], [], []>, transpose_lhs_hint = false} : vector<128x256xf32>, vector<256x1024xf32>, vector<128x1024xf32> -> vector<128x1024xf32>
    %get3A_39 = arith.constant 0 : index
    %get3A_40 = arith.constant 0 : index
    %get3A_41 = vector.load %arg9[%get3A_39, %get3A_40] : memref<128x1xf32, #tpu.memory_space<vmem>>, vector<128x1xf32>
    %add3A_42 = vector.broadcast %get3A_41 : vector<128x1xf32> to vector<128x1024xf32>
    %add3A_43 = arith.addf %dot_general3A_38, %add3A_42 : vector<128x1024xf32>
    %max3A_44 = arith.constant 0.000000e+00 : f32
    %max3A_45 = vector.broadcast %max3A_44 : f32 to vector<128x1024xf32>
    %max3A_46 = arith.maximumf %add3A_43, %max3A_45 : vector<128x1024xf32>
    %get3A_47 = arith.constant 0 : index
    %get3A_48 = arith.constant 0 : index
    %get3A_49 = vector.load %arg10[%get3A_47, %get3A_48] : memref<1x128xf32, #tpu.memory_space<vmem>>, vector<1x128xf32>
    %dot_general3A_50 = arith.constant dense<0.000000e+00> : vector<1x1024xf32>
    %dot_general3A_51 = tpu.matmul %get3A_49, %max3A_46, %dot_general3A_50 {dimension_numbers = #tpu.dot_dimension_numbers<[1], [0], [0], [1], [0, 0, 1, 1], [], []>, transpose_lhs_hint = false} : vector<1x128xf32>, vector<128x1024xf32>, vector<1x1024xf32> -> vector<1x1024xf32>
    %add3A_52 = arith.addf %max3A_14, %dot_general3A_51 : vector<1x1024xf32>
    %neg3A = arith.constant 0.000000e+00 : f32
    %neg3A_53 = vector.broadcast %neg3A : f32 to vector<1x1024xf32>
    %neg3A_54 = arith.subf %neg3A_53, %add3A_52 : vector<1x1024xf32>
    %exp3A = math.exp %neg3A_54 : vector<1x1024xf32>
    %add3A_55 = arith.constant 1.000000e+00 : f32
    %add3A_56 = vector.broadcast %add3A_55 : f32 to vector<1x1024xf32>
    %add3A_57 = arith.addf %add3A_56, %exp3A : vector<1x1024xf32>
    %div3A = arith.constant 1.000000e+00 : f32
    %div3A_58 = vector.broadcast %div3A : f32 to vector<1x1024xf32>
    %div3A_59 = arith.divf %div3A_58, %add3A_57 : vector<1x1024xf32>
    %swap3A = arith.constant 0 : index
    %swap3A_60 = arith.constant 0 : index
    %swap3A_61 = vector.load %arg11[%swap3A, %swap3A_60] : memref<1x1024xf32, #tpu.memory_space<vmem>>, vector<1x1024xf32>
    tpu.vector_store %arg11[%swap3A, %swap3A_60], %div3A_59 {strides = array<i32>} : memref<1x1024xf32, #tpu.memory_space<vmem>>, vector<1x1024xf32>,
    return
  }
  func.func @transform_0(%arg0: i32) -> (i32, i32) {
    %c0_i32 = arith.constant 0 : i32
    %c0_i32_0 = arith.constant 0 : i32
    return %c0_i32, %arg0 : i32, i32
  }
  func.func @transform_1(%arg0: i32) -> (i32, i32) {
    %c0_i32 = arith.constant 0 : i32
    %c0_i32_0 = arith.constant 0 : i32
    return %c0_i32, %arg0 : i32, i32
  }
  func.func @transform_2(%arg0: i32) -> (i32, i32) {
    %c0_i32 = arith.constant 0 : i32
    %c0_i32_0 = arith.constant 0 : i32
    %c0_i32_1 = arith.constant 0 : i32
    return %c0_i32, %c0_i32_0 : i32, i32
  }
  func.func @transform_3(%arg0: i32) -> (i32, i32) {
    %c0_i32 = arith.constant 0 : i32
    %c0_i32_0 = arith.constant 0 : i32
    %c0_i32_1 = arith.constant 0 : i32
    return %c0_i32, %c0_i32_0 : i32, i32
  }
  func.func @transform_4(%arg0: i32) -> (i32, i32) {
    %c0_i32 = arith.constant 0 : i32
    %c0_i32_0 = arith.constant 0 : i32
    %c0_i32_1 = arith.constant 0 : i32
    return %c0_i32, %c0_i32_0 : i32, i32
  }
  func.func @transform_5(%arg0: i32) -> (i32, i32) {
    %c0_i32 = arith.constant 0 : i32
    %c0_i32_0 = arith.constant 0 : i32
    %c0_i32_1 = arith.constant 0 : i32
    return %c0_i32, %c0_i32_0 : i32, i32
  }
  func.func @transform_6(%arg0: i32) -> (i32, i32) {
    %c0_i32 = arith.constant 0 : i32
    %c0_i32_0 = arith.constant 0 : i32
    %c0_i32_1 = arith.constant 0 : i32
    return %c0_i32, %c0_i32_0 : i32, i32
  }
  func.func @transform_7(%arg0: i32) -> (i32, i32) {
    %c0_i32 = arith.constant 0 : i32
    %c0_i32_0 = arith.constant 0 : i32
    %c0_i32_1 = arith.constant 0 : i32
    return %c0_i32, %c0_i32_0 : i32, i32
  }
  func.func @transform_8(%arg0: i32) -> (i32, i32) {
    %c0_i32 = arith.constant 0 : i32
    %c0_i32_0 = arith.constant 0 : i32
    %c0_i32_1 = arith.constant 0 : i32
    return %c0_i32, %c0_i32_0 : i32, i32
  }
  func.func @transform_9(%arg0: i32) -> (i32, i32) {
    %c0_i32 = arith.constant 0 : i32
    %c0_i32_0 = arith.constant 0 : i32
    %c0_i32_1 = arith.constant 0 : i32
    return %c0_i32, %c0_i32_0 : i32, i32
  }
  func.func @transform_10(%arg0: i32) -> (i32, i32) {
    %c0_i32 = arith.constant 0 : i32
    %c0_i32_0 = arith.constant 0 : i32
    return %c0_i32, %arg0 : i32, i32
  }
}

</mosaic_0001>

<sc_bundles>
// kernel: kernel.4.cloned.1.call-start
scs
__scs_entry_jumppad:
0x0: {  	(pc) =	sbr.rel $0x88, $3  }
0x1: {  	(tag) =	ssettag $0x0;
	lr =	simm.s32 $0x1  }
0x2: {  	[smem:$0x3F98] =	sst lr;
	_ =	strace $0xD0000000  }
0x3: {  	_ = 	snop  }
0x4: {  	_ = 	snop  }
0x5: {  	_ = 	snop  }
0x6: {  	_ = 	snop  }
0x7: {  	_ = 	snop  }
__scs_overlays_trampoline_lowered:
0x8: {  	[smem:$0x3FA7] =	sst s0  }
0x9: {  	[smem:$0x3FA8] =	sst s1  }
0xa: {  	[smem:$0x3FA9] =	sst s2  }
0xb: {  	[smem:$0x3FAA] =	sst s3  }
0xc: {  	[smem:$0x3FAB] =	sst s4  }
0xd: {  	[smem:$0x3FAC] =	sst s5  }
0xe: {  	[smem:$0x3FAD] =	sst s6  }
0xf: {  	[smem:$0x3FAE] =	sst s7  }
0x10: {  	[smem:$0x3FAF] =	sst s8  }
0x11: {  	[smem:$0x3FB0] =	sst s9;
	s0 =	simm.s32 @!p0 $0x0  }
0x12: {  	s1 =	sld [smem:$0x3F96];
	s0 =	simm.s32 @p0 $0x1  }
0x13: {  	[smem:$0x3FB1] =	sst s0;
	s0 =	simm.s32 @!p1 $0x0  }
0x14: {  	s2 =	sld [smem:$0x3F95];
	s0 =	simm.s32 @p1 $0x1  }
0x15: {  	[smem:$0x3FB2] =	sst s0;
	s0 =	simm.s32 @!p2 $0x0  }
0x16: {  	s3 =	sld [smem:$0x3FDB];
	s0 =	simm.s32 @p2 $0x1  }
0x17: {  	s4 =	simm.s32 $0x1BF5;
	[smem:$0x3FB4] =	sst s0  }
0x18: {  	s0 =	sld [smem:$0x3F97];
	_ =	swait.ge [sflag:s4], $0x0  }
0x19: {  	s7 =	sld [smem:$0x3F98]  }
0x1a: {  	s8 =	sadd.s32 $0xFFFFE003, lr  }
0x1b: {  	s9 =	sadd.s32 $0xFFFFFEF7, lr;
	s5 =	simm.s32 $0xFFFFFFFF;
	p2 =	slt.u32 s8, $0xFFFFF086  }
0x1c: {  	p1 =	slt.u32 s9, $0xF7A;
	s5 =	simm.s32 @!p2 $0x0  }
0x1d: {  	s5 =	simm.s32 @p1 $0x1;
	p0 =	seq.s32 s7, s2  }
0x1e: {  	s7 =	smul.u32 @!p0 $0xF7A, s2;
	p2 =	seq.s32 @!p0 s5, $0x0  }
0x1f: {  	s9 =	smul.u32 $0xF7A, s1;
	s8 =	simm.s32 @!p0 $0x1BF5;
	p2 =	por !p2, p0  }
0x20: {  	[sflag:s8] =	ssyncset.s32 @!p0 $0xFFFFF086;
	s6 =	sadd.s32 @!p0 s3, s7;
	s7 =	simm.s32 @!p0 $0x108  }
0x21: {  	s3 =	sadd.s32 s3, s9;
	s6 =	sadd.s32 @!p0 $0x88, s6;
	s7 =	simm.s32 @p2 $0x1082  }
0x22: {  	[simem:s7], [sflag:s8] =	dma.local @!p0 [hbm:s6], $0xF7A  }
0x23: {  	s9 =	sor.u32 $0xD0000000, s2;
	s6 =	simm.s32 $0x108;
	_ =	swait.ge @!p0 [sflag:s8], $0x0  }
0x24: {  	s3 =	sadd.s32 $0x88, s3;
	s6 =	simm.s32 @!p1 $0x1082;
	[sflag:s4] =	ssyncset.s32 $0xFFFFF086  }
0x25: {  	[simem:s6], [sflag:s4] =	dma.local [hbm:s3], $0xF7A  }
0x26: {  	[smem:$0x3F98] =	sst s1;
	(tag) =	ssettag s2;
	_ =	strace s9  }
0x27: {  	s1 =	sld [smem:$0x3FA8]  }
0x28: {  	s2 =	sld [smem:$0x3FA9]  }
0x29: {  	s4 =	sld [smem:$0x3FAB]  }
0x2a: {  	p0 =	seq.s32 s5, $0x0;
	s5 =	sld [smem:$0x3FAC]  }
0x2b: {  	s6 =	sld [smem:$0x3FAD]  }
0x2c: {  	s7 =	sld [smem:$0x3FAE]  }
0x2d: {  	s3 =	simm.s32 $0x108;
	s8 =	sld [smem:$0x3FAF]  }
0x2e: {  	s3 =	simm.s32 @!p0 $0x1082;
	s9 =	sld [smem:$0x3FB0]  }
0x2f: {  	lr =	sadd.s32 s0, s3;
	s0 =	sld [smem:$0x3FA7]  }
0x30: {  	s3 =	sld [smem:$0x3FAA]  }
0x31: {  	[smem:$0x3FB3] =	sst s10  }
0x32: {  	s10 =	sld [smem:$0x3FB1];
	_ =	sdelay $0x3  }
0x33: {  	p0 =	seq.s32 s10, $0x1;
	s10 =	sld [smem:$0x3FB3];
	_ =	sdelay $0x3  }
0x34: {  	[smem:$0x3FB3] =	sst s10  }
0x35: {  	s10 =	sld [smem:$0x3FB2];
	_ =	sdelay $0x3  }
0x36: {  	p1 =	seq.s32 s10, $0x1;
	s10 =	sld [smem:$0x3FB3];
	_ =	sdelay $0x3  }
0x37: {  	[smem:$0x3FB3] =	sst s10  }
0x38: {  	s10 =	sld [smem:$0x3FB4]  }
0x39: {  	_ = 	snop;
	(pc) =	sbr.ind lr, $3  }
0x3a: {  	_ = 	snop  }
0x3b: {  	_ = 	snop  }
0x3c: {  	p2 =	seq.s32 s10, $0x1;
	s10 =	sld [smem:$0x3FB3]  }
0x3d: {  	_ =	shalt  }
0x3e: {  	_ =	shalt  }
0x3f: {  	_ =	shalt  }
0x40: {  	_ =	shalt  }
0x41: {  	_ =	shalt  }
0x42: {  	_ =	shalt  }
0x43: {  	_ =	shalt  }
0x44: {  	_ =	shalt  }
0x45: {  	_ =	shalt  }
0x46: {  	_ =	shalt  }
0x47: {  	_ =	shalt  }
0x48: {  	_ =	shalt  }
0x49: {  	_ =	shalt  }
0x4a: {  	_ =	shalt  }
0x4b: {  	_ =	shalt  }
0x4c: {  	_ =	shalt  }
0x4d: {  	_ =	shalt  }
0x4e: {  	_ =	shalt  }
0x4f: {  	_ =	shalt  }
0x50: {  	_ =	shalt  }
0x51: {  	_ =	shalt  }
0x52: {  	_ =	shalt  }
0x53: {  	_ =	shalt  }
0x54: {  	_ =	shalt  }
0x55: {  	_ =	shalt  }
0x56: {  	_ =	shalt  }
0x57: {  	_ =	shalt  }
0x58: {  	_ =	shalt  }
0x59: {  	_ =	shalt  }
0x5a: {  	_ =	shalt  }
0x5b: {  	_ =	shalt  }
0x5c: {  	_ =	shalt  }
0x5d: {  	_ =	shalt  }
0x5e: {  	_ =	shalt  }
0x5f: {  	_ =	shalt  }
0x60: {  	_ =	shalt  }
0x61: {  	_ =	shalt  }
0x62: {  	_ =	shalt  }
0x63: {  	_ =	shalt  }
0x64: {  	_ =	shalt  }
0x65: {  	_ =	shalt  }
0x66: {  	_ =	shalt  }
0x67: {  	_ =	shalt  }
0x68: {  	_ =	shalt  }
0x69: {  	_ =	shalt  }
0x6a: {  	_ =	shalt  }
0x6b: {  	_ =	shalt  }
0x6c: {  	_ =	shalt  }
0x6d: {  	_ =	shalt  }
0x6e: {  	_ =	shalt  }
0x6f: {  	_ =	shalt  }
0x70: {  	_ =	shalt  }
0x71: {  	_ =	shalt  }
0x72: {  	_ =	shalt  }
0x73: {  	_ =	shalt  }
0x74: {  	_ =	shalt  }
0x75: {  	_ =	shalt  }
0x76: {  	_ =	shalt  }
0x77: {  	_ =	shalt  }
0x78: {  	_ =	shalt  }
0x79: {  	_ =	shalt  }
0x7a: {  	_ =	shalt  }
0x7b: {  	_ =	shalt  }
0x7c: {  	_ =	shalt  }
0x7d: {  	_ =	shalt  }
0x7e: {  	_ =	shalt  }
0x7f: {  	_ =	shalt  }
0x80: {  	_ =	shalt  }
0x81: {  	_ =	shalt  }
0x82: {  	_ =	shalt  }
0x83: {  	_ =	shalt  }
0x84: {  	_ =	shalt  }
0x85: {  	_ =	shalt  }
0x86: {  	_ =	shalt  }
0x87: {  	_ =	shalt  }
.Lfunc_end0:
.L_simem_size_0:
called_computation_lowered:
.L_overlay_start_0:
0x88: {  	s2 =	sld [smem:$0x3FD9]  }
0x89: {  	s3 =	sld [smem:$0x3FFE];
	_ =	sdelay $0x1  }
0x8a: {  	s1 =	srdreg.scid  }
0x8b: {  	s0 =	sand.u32 $0x1, s1  }
0x8c: {  	s17 =	sshll.u32 s0, $0xA;
	s2 =	sadd.s32 s3, s2  }
0x8d: {  	s2 =	sadd.s32 s2, s17  }
0x8e: {  	[smem:$0x3FBF] =	sst s2  }
0x8f: {  	_ = 	snop  }
0x90: {  	s2 =	sld [smem:$0x3FC8];
	(tm) =	ssettm $0x1  }
0x91: {  	s18 =	sld [smem:$0x3FFB];
	_ =	sdelay $0x3  }
0x92: {  	_ =	strace s18  }
0x93: {  	s3 =	sld [smem:$0x3FFC];
	_ =	sdelay $0x3  }
0x94: {  	_ =	strace s3  }
0x95: {  	s3 =	sld [smem:$0x3FFD];
	_ =	sdelay $0x3  }
0x96: {  	_ =	strace s3  }
0x97: {  	_ =	strace $0x8FFFFFFF  }
0x98: {  	s19 =	sld [smem:$0x3FDB];
	_ =	sdelay $0x1  }
0x99: {  	s4 =	simm.s32 $_scs_section_size  }
0x9a: {  	s5 =	simm.s32 $_size__tile_overlayer_lowered;
	s6 =	simm.s32 $_tile_overlayer_lowered  }
0x9b: {  	s22 =	simm.s32 $0x1BFF;
	s21 =	sshll.u32 s6, $0x1;
	s3 =	sadd.s32 s4, s19  }
0x9c: {  	s7 =	simm.s32 $0x0;
	s20 =	sshll.u32 s5, $0x1;
	s5 =	sadd.s32 s21, s3  }
0x9d: {  	[timem:s7], [sflag:s22] =	dma.local [hbm:s5], s20  }
0x9e: {  	_ =	swait.ge [sflag:s22], s20  }
0x9f: {  	s4 =	ssub.s32 $0x0, s20;
	[sflag:s22] =	ssyncset.done $0x0  }
0xa0: {  	[sflag:s22] =	ssyncadd.s32 s4;
	_ =	sdelay $0x1  }
0xa1: {  	s23 =	simm.s32 $0x1B8B  }
0xa2: {  	_ =	swait.ge [sflag:s23], $0x1  }
0xa3: {  	[sflag:s23] =	ssyncset.done $0x0  }
0xa4: {  	s25 =	simm.s32 $0x1B8E;
	s24 =	sld [smem:$0x3FFE];
	[sflag:s23] =	ssyncadd.s32 $0xFFFFFFFF  }
0xa5: {  	s26 =	simm.s32 $execute0_lowered;
	[smem:$0x3FD2] =	sst s25  }
0xa6: {  	s5 =	sshll.u32 s26, $0x1;
	_ =	strace $0x80000046;
	[dreg:$0x1] =	wrdreg $0xFFFFFFFF  }
0xa7: {  	s28 =	simm.s32 $_size_execute0_lowered;
	s3 =	sadd.s32 s3, s5;
	[dreg:$0x0] =	wrdreg $0x0  }
0xa8: {  	s5 =	sshll.u32 s28, $0x1;
	[dreg:$0x2] =	wrdreg s3  }
0xa9: {  	[dreg:$0x3] =	wrdreg s5  }
0xaa: {  	[dreg:$0x4] =	wrdreg $0xC0  }
0xab: {  	_ =	task [dreg:s7], $0x5FFFF  }
0xac: {  	[dreg:$0x1] =	wrdreg $0xFFFFFFFF  }
0xad: {  	[dreg:$0x0] =	wrdreg $0x60  }
0xae: {  	[dreg:$0x2] =	wrdreg s24  }
0xaf: {  	[dreg:$0x3] =	wrdreg s2  }
0xb0: {  	[dreg:$0x4] =	wrdreg $0x9  }
0xb1: {  	_ =	task.clear_ibuf [dreg:s7], $0x5FFFF;
	_ =	strace $0x90000046  }
0xb2: {  	s29 =	simm.s32 $0x9;
	_ =	strace $0x80000048  }
0xb3: {  	_ =	swait.ge [sflag:s29], $0x1  }
0xb4: {  	[sflag:s29] =	ssyncadd.s32 $0xFFFFFFFF  }
0xb5: {  	_ =	strace $0x90000048  }
0xb6: {  	_ =	sfence  }
0xb7: {  	s30 =	sld [smem:$0x0];
	_ =	sdelay $0x2  }
0xb8: {  	s31 =	sshll.u32 s1, $0xD;
	s1 =	sshrl.u32 s1, $0x2  }
0xb9: {  	s3 =	sand.u32 $0x4000, s31;
	s1 =	sadd.s32 s1, s30  }
0xba: {  	s0 =	sor.u32 s3, s0;
	s1 =	sshll.u32 s1, $0x11  }
0xbb: {  	s0 =	sor.u32 s1, s0  }
0xbc: {  	s0 =	sadd.s32 $0x8F2B, s0  }
0xbd: {  	[sflag:s0] =	ssyncadd.remote.s32 $0x1  }
0xbe: {  	_ =	sfence.sel $0xFFFF  }
0xbf: {  	[dreg:$0x0] =	wrdreg $0xFFFFFFFF;
	(pc) =	sbr.abs _section_cstart, $3  }
0xc0: {  	[dreg:$0x1] =	wrdreg $0xFFFFFFFF  }
0xc1: {  	_ =	task.clear_ibuf [dreg:s7], $0x2FFFF;
	_ =	strace $0x9FFFFFFF  }
0xc2: {  	(tm) =	ssettm $0x7FFFFFFF  }
0xc3: {  	_ =	shalt  }
tec
execute0_lowered:
.L_overlay_start_1:
0x0: {  	(tag) =	ssettag $0x1  }
0x1: {  	s0 =	rddreg [dreg:$0x0];
	s1 =	srdreg.scid;
	s3 =	simm.s32 $0x0  }
0x2: {  	s4 =	stileid.u32;
	s29 =	simm.s32 $0x19480;
	s30 =	simm.s32 $0x19580  }
0x3: {  	s31 =	simm.s32 $0x19680;
	s7 =	simm.s32 $0x19980;
	s8 =	simm.s32 $0x19B80  }
0x4: {  	s9 =	simm.s32 $0x19C80;
	s10 =	simm.s32 $0x19E80;
	s11 =	simm.s32 $0x19F80  }
0x5: {  	s12 =	simm.s32 $0x1A080;
	s13 =	simm.s32 $0x1A180;
	s14 =	simm.s32 $0x1A280  }
0x6: {  	s15 =	simm.s32 $0x1A380;
	s16 =	simm.s32 $0x1A480;
	s17 =	simm.s32 $0x1A580  }
0x7: {  	s18 =	simm.s32 $0x1A680;
	s20 =	simm.s32 $0x0;
	s1 =	sand.u32 $0x1, s1  }
0x8: {  	[smem:$0x7FF] =	sst s3;
	s6 =	sshll.u32 s4, $0x1;
	s4 =	sadd.s32 $0x1800, s0  }
0x9: {  	s2 =	ssub.s32 $0x2, s1;
	_ =	strace $0x80000047;
	s1 =	sor.u32 s1, s6  }
0xa: {  	s6 =	simm.s32 $0x19D80;
	s5 =	sshrl.u32 s2, $0x1;
	s26 =	smul.u32 $0xD, s1  }
0xb: {  	s1 =	simm.s32 $0x19A80;
	s2 =	ssub.s32 s2, s5;
	s5 =	sadd.s32 $0x11800, s0  }
0xc: {  	s0 =	simm.s32 $0x19780;
	[dreg:$0x3] =	wrdreg s26;
	s28 =	smax.u32 s2, $0x1  }
0xd: {  	s26 =	simm.s32 $0x4;
	s2 =	simm.s32 $0x19880;
	[dreg:$0x4] =	wrdreg s28  }
.LBB2_1:
0xe: {  	[dreg:$0x5] =	wrdreg s20;
	s20 =	simm.s32 $0x0  }
.LBB2_2:
0xf: {  	s19 =	rddreg [dreg:$0x3]  }
0x10: {  	[dreg:$0x6] =	wrdreg s20;
	s20 =	sadd.s32 s19, s20  }
0x11: {  	s21 =	sshrl.u32 s20, $0x3  }
0x12: {  	s19 =	sshll.u32 s20, $0x7;
	s22 =	smul.u32 $0xC3800, s21  }
0x13: {  	s23 =	sand.u32 $0x380, s19  }
0x14: {  	s19 =	sor.u32 s23, s22  }
0x15: {  	s24 =	rddreg [dreg:$0x1];
	s25 =	simm.s32 $0x400;
	s19 =	sshrl.u32 s19, $0x3  }
0x16: {  	s22 =	sadd.s32 s24, s19;
	s19 =	simm.s32 $0x0;
	s24 =	simm.s32 $0x80  }
0x17: {  	[tilespmem:s19], [sflag:$0x1] =	stream.strided.gather [hbm4b:s22+s24], $0x18700, s25, s24, $0x38;
	[tilespmem:$0x1A700] =	vst v63  }
0x18: {  	s28 =	sshll.u32 s20, $0xA;
	s20 =	sshll.u32 s20, $0x3;
	s25 =	simm.s32 $0x1  }
0x19: {  	s20 =	sand.u32 $0x380, s20;
	_ =	swait.ge [sflag:s25], $0x18700  }
0x1a: {  	s21 =	sshll.u32 s21, $0x11;
	s22 =	sand.u32 $0x7FFE0000, s28;
	[sflag:s25] =	ssyncset.done $0x0  }
0x1b: {  	s21 =	sor.u32 s21, s23;
	s20 =	sor.u32 s22, s20;
	[sflag:s25] =	ssyncadd.s32 $0xFFFE7900  }
.LBB2_3:
0x1c: {  	s22 =	sshll.u32 s19, $0xF  }
0x1d: {  	s23 =	sor.u32 s22, s20  }
0x1e: {  	s23 =	sshrl.u32 s23, $0x3  }
0x1f: {  	s24 =	simm.s32 $0x18700;
	s23 =	sadd.s32 s4, s23  }
0x20: {  	[tilespmem:s24], [sflag:$0x4] =	stream.linear.gather [hbm4b:s23+s3], $0x80, $0x38;
	[tilespmem:$0x1A700] =	vst v63  }
0x21: {  	s25 =	simm.s32 $0x18800;
	s28 =	sadd.s32 $0x80, s23  }
0x22: {  	[tilespmem:s25], [sflag:$0x4] =	stream.linear.gather [hbm4b:s28+s3], $0x80, $0x38;
	[tilespmem:$0x1A700] =	vst v63  }
0x23: {  	s24 =	sadd.s32 $0x100, s23;
	s28 =	simm.s32 $0x18900  }
0x24: {  	[tilespmem:s28], [sflag:$0x4] =	stream.linear.gather [hbm4b:s24+s3], $0x80, $0x38;
	[tilespmem:$0x1A700] =	vst v63  }
0x25: {  	s24 =	sadd.s32 $0x180, s23;
	s28 =	simm.s32 $0x18A00  }
0x26: {  	[tilespmem:s28], [sflag:$0x4] =	stream.linear.gather [hbm4b:s24+s3], $0x80, $0x38;
	[tilespmem:$0x1A700] =	vst v63  }
0x27: {  	s24 =	sadd.s32 $0x200, s23;
	s28 =	simm.s32 $0x18B00  }
0x28: {  	[tilespmem:s28], [sflag:$0x4] =	stream.linear.gather [hbm4b:s24+s3], $0x80, $0x38;
	[tilespmem:$0x1A700] =	vst v63  }
0x29: {  	s24 =	sadd.s32 $0x280, s23;
	s28 =	simm.s32 $0x18C00  }
0x2a: {  	[tilespmem:s28], [sflag:$0x4] =	stream.linear.gather [hbm4b:s24+s3], $0x80, $0x38;
	[tilespmem:$0x1A700] =	vst v63  }
0x2b: {  	s24 =	sadd.s32 $0x300, s23;
	s28 =	simm.s32 $0x18D00  }
0x2c: {  	[tilespmem:s28], [sflag:$0x4] =	stream.linear.gather [hbm4b:s24+s3], $0x80, $0x38;
	[tilespmem:$0x1A700] =	vst v63  }
0x2d: {  	s24 =	sadd.s32 $0x380, s23;
	s28 =	simm.s32 $0x18E00  }
0x2e: {  	[tilespmem:s28], [sflag:$0x4] =	stream.linear.gather [hbm4b:s24+s3], $0x80, $0x38;
	[tilespmem:$0x1A700] =	vst v63  }
0x2f: {  	s24 =	sadd.s32 $0x400, s23;
	s28 =	simm.s32 $0x18F00  }
0x30: {  	[tilespmem:s28], [sflag:$0x4] =	stream.linear.gather [hbm4b:s24+s3], $0x80, $0x38;
	[tilespmem:$0x1A700] =	vst v63  }
0x31: {  	s24 =	sadd.s32 $0x480, s23;
	s28 =	simm.s32 $0x19000  }
0x32: {  	[tilespmem:s28], [sflag:$0x4] =	stream.linear.gather [hbm4b:s24+s3], $0x80, $0x38;
	[tilespmem:$0x1A700] =	vst v63  }
0x33: {  	s24 =	sadd.s32 $0x500, s23;
	s28 =	simm.s32 $0x19100  }
0x34: {  	[tilespmem:s28], [sflag:$0x4] =	stream.linear.gather [hbm4b:s24+s3], $0x80, $0x38;
	[tilespmem:$0x1A700] =	vst v63  }
0x35: {  	s24 =	sadd.s32 $0x580, s23;
	s28 =	simm.s32 $0x19200  }
0x36: {  	[tilespmem:s28], [sflag:$0x4] =	stream.linear.gather [hbm4b:s24+s3], $0x80, $0x38;
	[tilespmem:$0x1A700] =	vst v63  }
0x37: {  	s24 =	sadd.s32 $0x600, s23;
	s28 =	simm.s32 $0x19300  }
0x38: {  	[tilespmem:s28], [sflag:$0x4] =	stream.linear.gather [hbm4b:s24+s3], $0x80, $0x38;
	[tilespmem:$0x1A700] =	vst v63  }
0x39: {  	s24 =	sadd.s32 $0x680, s23;
	s28 =	simm.s32 $0x19400  }
0x3a: {  	[tilespmem:s28], [sflag:$0x4] =	stream.linear.gather [hbm4b:s24+s3], $0x80, $0x38;
	[tilespmem:$0x1A700] =	vst v63  }
0x3b: {  	s24 =	sadd.s32 $0x700, s23;
	s28 =	simm.s32 $0x19500  }
0x3c: {  	[tilespmem:s28], [sflag:$0x4] =	stream.linear.gather [hbm4b:s24+s3], $0x80, $0x38;
	[tilespmem:$0x1A700] =	vst v63  }
0x3d: {  	s23 =	sadd.s32 $0x780, s23;
	s28 =	simm.s32 $0x19600  }
0x3e: {  	[tilespmem:s28], [sflag:$0x4] =	stream.linear.gather [hbm4b:s23+s3], $0x80, $0x38;
	[tilespmem:$0x1A700] =	vst v63  }
0x3f: {  	_ =	swait.ge [sflag:s26], $0x800  }
0x40: {  	[sflag:s26] =	ssyncset.done $0x0  }
0x41: {  	[sflag:s26] =	ssyncadd.s32 $0xFFFFF800  }
0x42: {  	v0 =	vld [tilespmem:s25+$0x70]  }
0x43: {  	v1 =	vld [tilespmem:s25+$0xFFFFFF10]  }
0x44: {  	v2 =	vld [tilespmem:s25+$0xFFFFFF20]  }
0x45: {  	v3 =	vld [tilespmem:s25+$0xFFFFFF30]  }
0x46: {  	v4 =	vld [tilespmem:s25+$0xFFFFFF40]  }
0x47: {  	v5 =	vld [tilespmem:s25+$0xFFFFFF50]  }
0x48: {  	v6 =	vld [tilespmem:s25+$0xFFFFFF60]  }
0x49: {  	v7 =	vld [tilespmem:s25+$0xFFFFFF70]  }
0x4a: {  	v8 =	vld [tilespmem:s25+$0x0]  }
0x4b: {  	v9 =	vld [tilespmem:s25+$0x10]  }
0x4c: {  	v10 =	vld [tilespmem:s25+$0x20]  }
0x4d: {  	v11 =	vld [tilespmem:s25+$0x30]  }
0x4e: {  	v12 =	vld [tilespmem:s25+$0x40]  }
0x4f: {  	v13 =	vld [tilespmem:s25+$0x50]  }
0x50: {  	v14 =	vld [tilespmem:s25+$0x60]  }
0x51: {  	v15 =	vld [tilespmem:s25+$0xFFFFFF00]  }
0x52: {  	v0 =	vld.idx.msk [tilespmem:v0+s3+$0x0], $0xffff  }
0x53: {  	v1 =	vld.idx.msk [tilespmem:v1+s3+$0x0], $0xffff  }
0x54: {  	v2 =	vld.idx.msk [tilespmem:v2+s3+$0x0], $0xffff  }
0x55: {  	v3 =	vld.idx.msk [tilespmem:v3+s3+$0x0], $0xffff  }
0x56: {  	v4 =	vld.idx.msk [tilespmem:v4+s3+$0x0], $0xffff  }
0x57: {  	s23 =	simm.s32 $0x19800;
	v5 =	vld.idx.msk [tilespmem:v5+s3+$0x0], $0xffff  }
0x58: {  	v6 =	vld.idx.msk [tilespmem:v6+s3+$0x0], $0xffff;
	[tilespmem:s23+$0x70] =	vst v0  }
0x59: {  	v7 =	vld.idx.msk [tilespmem:v7+s3+$0x0], $0xffff;
	[tilespmem:s23+$0xFFFFFF10] =	vst v1  }
0x5a: {  	v15 =	vld.idx.msk [tilespmem:v15+s3+$0x0], $0xffff;
	[tilespmem:s23+$0xFFFFFF20] =	vst v2  }
0x5b: {  	v8 =	vld.idx.msk [tilespmem:v8+s3+$0x0], $0xffff;
	[tilespmem:s23+$0xFFFFFF30] =	vst v3  }
0x5c: {  	[tilespmem:s23+$0xFFFFFF40] =	vst v4;
	v0 =	vld.idx.msk [tilespmem:v9+s3+$0x0], $0xffff  }
0x5d: {  	[tilespmem:s23+$0xFFFFFF50] =	vst v5;
	v1 =	vld.idx.msk [tilespmem:v10+s3+$0x0], $0xffff  }
0x5e: {  	[tilespmem:s23+$0xFFFFFF60] =	vst v6;
	v2 =	vld.idx.msk [tilespmem:v11+s3+$0x0], $0xffff  }
0x5f: {  	[tilespmem:s23+$0xFFFFFF70] =	vst v7;
	v3 =	vld.idx.msk [tilespmem:v12+s3+$0x0], $0xffff  }
0x60: {  	[tilespmem:s23+$0xFFFFFF00] =	vst v15;
	v4 =	vld.idx.msk [tilespmem:v13+s3+$0x0], $0xffff  }
0x61: {  	s24 =	simm.s32 $0x0;
	s25 =	simm.s32 $0x18A00;
	[tilespmem:s23+$0x0] =	vst v8;
	v5 =	vld.idx.msk [tilespmem:v14+s3+$0x0], $0xffff  }
.LBB2_4:
0x62: {  	v6 =	vld [tilespmem:s25+$0x70];
	s24 =	sadd.s32 $0x100, s24;
	[tilespmem:s23+$0x10] =	vst v0  }
0x63: {  	v0 =	vld [tilespmem:s25+$0xFFFFFF10];
	p0 =	slt.u32 s24, $0x700;
	[tilespmem:s23+$0x20] =	vst v1  }
0x64: {  	v1 =	vld [tilespmem:s25+$0xFFFFFF20];
	[tilespmem:s23+$0x30] =	vst v2  }
0x65: {  	v2 =	vld [tilespmem:s25+$0xFFFFFF30];
	[tilespmem:s23+$0x40] =	vst v3  }
0x66: {  	v3 =	vld [tilespmem:s25+$0xFFFFFF40];
	[tilespmem:s23+$0x50] =	vst v4  }
0x67: {  	v4 =	vld [tilespmem:s25+$0xFFFFFF50];
	[tilespmem:s23+$0x60] =	vst v5  }
0x68: {  	v5 =	vld [tilespmem:s25+$0xFFFFFF60]  }
0x69: {  	v7 =	vld [tilespmem:s25+$0xFFFFFF70]  }
0x6a: {  	v6 =	vld.idx.msk [tilespmem:v6+s3+$0x0], $0xffff  }
0x6b: {  	v8 =	vld [tilespmem:s25+$0x0]  }
0x6c: {  	v9 =	vld [tilespmem:s25+$0x10]  }
0x6d: {  	v10 =	vld [tilespmem:s25+$0x20]  }
0x6e: {  	v11 =	vld [tilespmem:s25+$0x30]  }
0x6f: {  	s23 =	sadd.s32 $0x200, s23;
	v12 =	vld [tilespmem:s25+$0x40]  }
0x70: {  	v13 =	vld [tilespmem:s25+$0x50];
	[tilespmem:s23+$0x70] =	vst v6  }
0x71: {  	v6 =	vld [tilespmem:s25+$0x60]  }
0x72: {  	v14 =	vld [tilespmem:s25+$0xFFFFFF00]  }
0x73: {  	v0 =	vld.idx.msk [tilespmem:v0+s3+$0x0], $0xffff  }
0x74: {  	v1 =	vld.idx.msk [tilespmem:v1+s3+$0x0], $0xffff  }
0x75: {  	v2 =	vld.idx.msk [tilespmem:v2+s3+$0x0], $0xffff  }
0x76: {  	v3 =	vld.idx.msk [tilespmem:v3+s3+$0x0], $0xffff  }
0x77: {  	v4 =	vld.idx.msk [tilespmem:v4+s3+$0x0], $0xffff  }
0x78: {  	v5 =	vld.idx.msk [tilespmem:v5+s3+$0x0], $0xffff  }
0x79: {  	[tilespmem:s23+$0xFFFFFF10] =	vst v0;
	v7 =	vld.idx.msk [tilespmem:v7+s3+$0x0], $0xffff  }
0x7a: {  	v14 =	vld.idx.msk [tilespmem:v14+s3+$0x0], $0xffff;
	[tilespmem:s23+$0xFFFFFF20] =	vst v1  }
0x7b: {  	[tilespmem:s23+$0xFFFFFF30] =	vst v2;
	v8 =	vld.idx.msk [tilespmem:v8+s3+$0x0], $0xffff  }
0x7c: {  	[tilespmem:s23+$0xFFFFFF40] =	vst v3;
	v0 =	vld.idx.msk [tilespmem:v9+s3+$0x0], $0xffff  }
.Ltmp0:
0x7d: {  	[tilespmem:s23+$0xFFFFFF50] =	vst v4;
	v1 =	vld.idx.msk [tilespmem:v10+s3+$0x0], $0xffff;
	(pc) =	sbr.rel @p0 .LBB2_4-.Ltmp0, $4  }
0x7e: {  	[tilespmem:s23+$0xFFFFFF60] =	vst v5;
	v2 =	vld.idx.msk [tilespmem:v11+s3+$0x0], $0xffff  }
0x7f: {  	[tilespmem:s23+$0xFFFFFF70] =	vst v7;
	v3 =	vld.idx.msk [tilespmem:v12+s3+$0x0], $0xffff  }
0x80: {  	[tilespmem:s23+$0xFFFFFF00] =	vst v14;
	v4 =	vld.idx.msk [tilespmem:v13+s3+$0x0], $0xffff  }
0x81: {  	s25 =	sadd.s32 $0x200, s25;
	[tilespmem:s23+$0x0] =	vst v8;
	v5 =	vld.idx.msk [tilespmem:v6+s3+$0x0], $0xffff  }
0x82: {  	[tilespmem:s23+$0x10] =	vst v0  }
0x83: {  	[tilespmem:s23+$0x20] =	vst v1  }
0x84: {  	[tilespmem:s23+$0x30] =	vst v2  }
0x85: {  	[tilespmem:s23+$0x40] =	vst v3  }
0x86: {  	p0 =	seq.s32 s19, $0x0;
	[tilespmem:s23+$0x50] =	vst v4  }
0x87: {  	[tilespmem:s23+$0x60] =	vst v5;
	s23 =	simm.s32 @!p0 $0x2  }
0x88: {  	s24 =	sor.u32 s22, s21;
	_ =	swait.ge @!p0 [sflag:s23], $0x800  }
0x89: {  	s24 =	sshrl.u32 s24, $0x3;
	[sflag:s23] =	ssyncset.done @!p0 $0x0  }
0x8a: {  	s25 =	simm.s32 $0x19700;
	[sflag:s23] =	ssyncadd.s32 @!p0 $0xFFFFF800;
	s23 =	sadd.s32 s5, s24  }
0x8b: {  	[hbm4b:s23+s3] =	stream.linear.scatter [tilespmem:s25], [sflag:$0x2], $0x80, $0x38;
	[tilespmem:$0x1A700] =	vst v63  }
0x8c: {  	s28 =	sadd.s32 $0x80, s23;
	s25 =	simm.s32 $0x19800  }
0x8d: {  	[hbm4b:s28+s3] =	stream.linear.scatter [tilespmem:s25], [sflag:$0x2], $0x80, $0x38;
	[tilespmem:$0x1A700] =	vst v63  }
0x8e: {  	s25 =	sadd.s32 $0x100, s23;
	s28 =	simm.s32 $0x19900  }
0x8f: {  	[hbm4b:s25+s3] =	stream.linear.scatter [tilespmem:s28], [sflag:$0x2], $0x80, $0x38;
	[tilespmem:$0x1A700] =	vst v63  }
0x90: {  	s25 =	sadd.s32 $0x180, s23;
	s28 =	simm.s32 $0x19A00  }
0x91: {  	[hbm4b:s25+s3] =	stream.linear.scatter [tilespmem:s28], [sflag:$0x2], $0x80, $0x38;
	[tilespmem:$0x1A700] =	vst v63  }
0x92: {  	s25 =	sadd.s32 $0x200, s23;
	s28 =	simm.s32 $0x19B00  }
0x93: {  	[hbm4b:s25+s3] =	stream.linear.scatter [tilespmem:s28], [sflag:$0x2], $0x80, $0x38;
	[tilespmem:$0x1A700] =	vst v63  }
0x94: {  	s25 =	sadd.s32 $0x280, s23;
	s28 =	simm.s32 $0x19C00  }
0x95: {  	[hbm4b:s25+s3] =	stream.linear.scatter [tilespmem:s28], [sflag:$0x2], $0x80, $0x38;
	[tilespmem:$0x1A700] =	vst v63  }
0x96: {  	s25 =	sadd.s32 $0x300, s23;
	s28 =	simm.s32 $0x19D00  }
0x97: {  	[hbm4b:s25+s3] =	stream.linear.scatter [tilespmem:s28], [sflag:$0x2], $0x80, $0x38;
	[tilespmem:$0x1A700] =	vst v63  }
0x98: {  	s25 =	sadd.s32 $0x380, s23;
	s28 =	simm.s32 $0x19E00  }
0x99: {  	[hbm4b:s25+s3] =	stream.linear.scatter [tilespmem:s28], [sflag:$0x2], $0x80, $0x38;
	[tilespmem:$0x1A700] =	vst v63  }
0x9a: {  	s25 =	sadd.s32 $0x400, s23;
	s28 =	simm.s32 $0x19F00  }
0x9b: {  	[hbm4b:s25+s3] =	stream.linear.scatter [tilespmem:s28], [sflag:$0x2], $0x80, $0x38;
	[tilespmem:$0x1A700] =	vst v63  }
0x9c: {  	s25 =	sadd.s32 $0x480, s23;
	s28 =	simm.s32 $0x1A000  }
0x9d: {  	[hbm4b:s25+s3] =	stream.linear.scatter [tilespmem:s28], [sflag:$0x2], $0x80, $0x38;
	[tilespmem:$0x1A700] =	vst v63  }
0x9e: {  	s25 =	sadd.s32 $0x500, s23;
	s28 =	simm.s32 $0x1A100  }
0x9f: {  	[hbm4b:s25+s3] =	stream.linear.scatter [tilespmem:s28], [sflag:$0x2], $0x80, $0x38;
	[tilespmem:$0x1A700] =	vst v63  }
0xa0: {  	s25 =	sadd.s32 $0x580, s23;
	s28 =	simm.s32 $0x1A200  }
0xa1: {  	[hbm4b:s25+s3] =	stream.linear.scatter [tilespmem:s28], [sflag:$0x2], $0x80, $0x38;
	[tilespmem:$0x1A700] =	vst v63  }
0xa2: {  	s25 =	sadd.s32 $0x600, s23;
	s28 =	simm.s32 $0x1A300  }
0xa3: {  	[hbm4b:s25+s3] =	stream.linear.scatter [tilespmem:s28], [sflag:$0x2], $0x80, $0x38;
	[tilespmem:$0x1A700] =	vst v63  }
0xa4: {  	s25 =	sadd.s32 $0x680, s23;
	s28 =	simm.s32 $0x1A400  }
0xa5: {  	[hbm4b:s25+s3] =	stream.linear.scatter [tilespmem:s28], [sflag:$0x2], $0x80, $0x38;
	[tilespmem:$0x1A700] =	vst v63  }
0xa6: {  	s22 =	sor.u32 $0x4000, s22;
	s25 =	sadd.s32 $0x700, s23;
	s28 =	simm.s32 $0x1A500  }
0xa7: {  	[hbm4b:s25+s3] =	stream.linear.scatter [tilespmem:s28], [sflag:$0x2], $0x80, $0x38;
	[tilespmem:$0x1A700] =	vst v63  }
0xa8: {  	s24 =	sor.u32 s22, s20;
	s23 =	sadd.s32 $0x780, s23;
	s28 =	simm.s32 $0x1A600  }
0xa9: {  	[hbm4b:s23+s3] =	stream.linear.scatter [tilespmem:s28], [sflag:$0x2], $0x80, $0x38;
	[tilespmem:$0x1A700] =	vst v63  }
0xaa: {  	s23 =	sshrl.u32 s24, $0x3  }
0xab: {  	s25 =	simm.s32 $0x18780;
	s23 =	sadd.s32 s4, s23  }
0xac: {  	[tilespmem:s25], [sflag:$0x4] =	stream.linear.gather [hbm4b:s23+s3], $0x80, $0x38;
	[tilespmem:$0x1A700] =	vst v63  }
0xad: {  	s28 =	sadd.s32 $0x80, s23;
	s25 =	simm.s32 $0x18880  }
0xae: {  	[tilespmem:s25], [sflag:$0x4] =	stream.linear.gather [hbm4b:s28+s3], $0x80, $0x38;
	[tilespmem:$0x1A700] =	vst v63  }
0xaf: {  	s24 =	sadd.s32 $0x100, s23;
	s28 =	simm.s32 $0x18980  }
0xb0: {  	[tilespmem:s28], [sflag:$0x4] =	stream.linear.gather [hbm4b:s24+s3], $0x80, $0x38;
	[tilespmem:$0x1A700] =	vst v63  }
0xb1: {  	s24 =	sadd.s32 $0x180, s23;
	s28 =	simm.s32 $0x18A80  }
0xb2: {  	[tilespmem:s28], [sflag:$0x4] =	stream.linear.gather [hbm4b:s24+s3], $0x80, $0x38;
	[tilespmem:$0x1A700] =	vst v63  }
0xb3: {  	s24 =	sadd.s32 $0x200, s23;
	s28 =	simm.s32 $0x18B80  }
0xb4: {  	[tilespmem:s28], [sflag:$0x4] =	stream.linear.gather [hbm4b:s24+s3], $0x80, $0x38;
	[tilespmem:$0x1A700] =	vst v63  }
0xb5: {  	s24 =	sadd.s32 $0x280, s23;
	s28 =	simm.s32 $0x18C80  }
0xb6: {  	[tilespmem:s28], [sflag:$0x4] =	stream.linear.gather [hbm4b:s24+s3], $0x80, $0x38;
	[tilespmem:$0x1A700] =	vst v63  }
0xb7: {  	s24 =	sadd.s32 $0x300, s23;
	s28 =	simm.s32 $0x18D80  }
0xb8: {  	[tilespmem:s28], [sflag:$0x4] =	stream.linear.gather [hbm4b:s24+s3], $0x80, $0x38;
	[tilespmem:$0x1A700] =	vst v63  }
0xb9: {  	s24 =	sadd.s32 $0x380, s23;
	s28 =	simm.s32 $0x18E80  }
0xba: {  	[tilespmem:s28], [sflag:$0x4] =	stream.linear.gather [hbm4b:s24+s3], $0x80, $0x38;
	[tilespmem:$0x1A700] =	vst v63  }
0xbb: {  	s24 =	sadd.s32 $0x400, s23;
	s28 =	simm.s32 $0x18F80  }
0xbc: {  	[tilespmem:s28], [sflag:$0x4] =	stream.linear.gather [hbm4b:s24+s3], $0x80, $0x38;
	[tilespmem:$0x1A700] =	vst v63  }
0xbd: {  	s24 =	sadd.s32 $0x480, s23;
	s28 =	simm.s32 $0x19080  }
0xbe: {  	[tilespmem:s28], [sflag:$0x4] =	stream.linear.gather [hbm4b:s24+s3], $0x80, $0x38;
	[tilespmem:$0x1A700] =	vst v63  }
0xbf: {  	s24 =	sadd.s32 $0x500, s23;
	s28 =	simm.s32 $0x19180  }
0xc0: {  	[tilespmem:s28], [sflag:$0x4] =	stream.linear.gather [hbm4b:s24+s3], $0x80, $0x38;
	[tilespmem:$0x1A700] =	vst v63  }
0xc1: {  	s24 =	sadd.s32 $0x580, s23;
	s28 =	simm.s32 $0x19280  }
0xc2: {  	[tilespmem:s28], [sflag:$0x4] =	stream.linear.gather [hbm4b:s24+s3], $0x80, $0x38;
	[tilespmem:$0x1A700] =	vst v63  }
0xc3: {  	s24 =	sadd.s32 $0x600, s23;
	s28 =	simm.s32 $0x19380  }
0xc4: {  	[tilespmem:s28], [sflag:$0x4] =	stream.linear.gather [hbm4b:s24+s3], $0x80, $0x38;
	[tilespmem:$0x1A700] =	vst v63  }
0xc5: {  	s28 =	sadd.s32 $0x680, s23  }
0xc6: {  	[tilespmem:s29], [sflag:$0x4] =	stream.linear.gather [hbm4b:s28+s3], $0x80, $0x38;
	[tilespmem:$0x1A700] =	vst v63  }
0xc7: {  	s28 =	sadd.s32 $0x700, s23  }
0xc8: {  	[tilespmem:s30], [sflag:$0x4] =	stream.linear.gather [hbm4b:s28+s3], $0x80, $0x38;
	[tilespmem:$0x1A700] =	vst v63  }
0xc9: {  	s23 =	sadd.s32 $0x780, s23  }
0xca: {  	[tilespmem:s31], [sflag:$0x4] =	stream.linear.gather [hbm4b:s23+s3], $0x80, $0x38;
	[tilespmem:$0x1A700] =	vst v63  }
0xcb: {  	_ =	swait.ge [sflag:s26], $0x800  }
0xcc: {  	[sflag:s26] =	ssyncset.done $0x0  }
0xcd: {  	[sflag:s26] =	ssyncadd.s32 $0xFFFFF800  }
0xce: {  	v0 =	vld [tilespmem:s25+$0x70]  }
0xcf: {  	v1 =	vld [tilespmem:s25+$0xFFFFFF10]  }
0xd0: {  	v2 =	vld [tilespmem:s25+$0xFFFFFF20]  }
0xd1: {  	v3 =	vld [tilespmem:s25+$0xFFFFFF30]  }
0xd2: {  	v4 =	vld [tilespmem:s25+$0xFFFFFF40]  }
0xd3: {  	v5 =	vld [tilespmem:s25+$0xFFFFFF50]  }
0xd4: {  	v6 =	vld [tilespmem:s25+$0xFFFFFF60]  }
0xd5: {  	v7 =	vld [tilespmem:s25+$0xFFFFFF70]  }
0xd6: {  	v8 =	vld [tilespmem:s25+$0x0]  }
0xd7: {  	v9 =	vld [tilespmem:s25+$0x10]  }
0xd8: {  	v10 =	vld [tilespmem:s25+$0x20]  }
0xd9: {  	v11 =	vld [tilespmem:s25+$0x30]  }
0xda: {  	v12 =	vld [tilespmem:s25+$0x40]  }
0xdb: {  	v13 =	vld [tilespmem:s25+$0x50]  }
0xdc: {  	v14 =	vld [tilespmem:s25+$0x60]  }
0xdd: {  	v15 =	vld [tilespmem:s25+$0xFFFFFF00]  }
0xde: {  	v0 =	vld.idx.msk [tilespmem:v0+s3+$0x0], $0xffff  }
0xdf: {  	v1 =	vld.idx.msk [tilespmem:v1+s3+$0x0], $0xffff  }
0xe0: {  	v2 =	vld.idx.msk [tilespmem:v2+s3+$0x0], $0xffff  }
0xe1: {  	v3 =	vld.idx.msk [tilespmem:v3+s3+$0x0], $0xffff  }
0xe2: {  	v4 =	vld.idx.msk [tilespmem:v4+s3+$0x0], $0xffff  }
0xe3: {  	s23 =	simm.s32 $0x19880;
	v5 =	vld.idx.msk [tilespmem:v5+s3+$0x0], $0xffff  }
0xe4: {  	v6 =	vld.idx.msk [tilespmem:v6+s3+$0x0], $0xffff;
	[tilespmem:s23+$0x70] =	vst v0  }
0xe5: {  	v7 =	vld.idx.msk [tilespmem:v7+s3+$0x0], $0xffff;
	[tilespmem:s23+$0xFFFFFF10] =	vst v1  }
0xe6: {  	v15 =	vld.idx.msk [tilespmem:v15+s3+$0x0], $0xffff;
	[tilespmem:s23+$0xFFFFFF20] =	vst v2  }
0xe7: {  	v8 =	vld.idx.msk [tilespmem:v8+s3+$0x0], $0xffff;
	[tilespmem:s23+$0xFFFFFF30] =	vst v3  }
0xe8: {  	[tilespmem:s23+$0xFFFFFF40] =	vst v4;
	v0 =	vld.idx.msk [tilespmem:v9+s3+$0x0], $0xffff  }
0xe9: {  	[tilespmem:s23+$0xFFFFFF50] =	vst v5;
	v1 =	vld.idx.msk [tilespmem:v10+s3+$0x0], $0xffff  }
0xea: {  	[tilespmem:s23+$0xFFFFFF60] =	vst v6;
	v2 =	vld.idx.msk [tilespmem:v11+s3+$0x0], $0xffff  }
0xeb: {  	[tilespmem:s23+$0xFFFFFF70] =	vst v7;
	v3 =	vld.idx.msk [tilespmem:v12+s3+$0x0], $0xffff  }
0xec: {  	[tilespmem:s23+$0xFFFFFF00] =	vst v15;
	v4 =	vld.idx.msk [tilespmem:v13+s3+$0x0], $0xffff  }
0xed: {  	s24 =	simm.s32 $0x0;
	s25 =	simm.s32 $0x18A80;
	[tilespmem:s23+$0x0] =	vst v8;
	v5 =	vld.idx.msk [tilespmem:v14+s3+$0x0], $0xffff  }
.LBB2_6:
0xee: {  	v6 =	vld [tilespmem:s25+$0x70];
	s24 =	sadd.s32 $0x100, s24;
	[tilespmem:s23+$0x10] =	vst v0  }
0xef: {  	v0 =	vld [tilespmem:s25+$0xFFFFFF10];
	p1 =	slt.u32 s24, $0x700;
	[tilespmem:s23+$0x20] =	vst v1  }
0xf0: {  	v1 =	vld [tilespmem:s25+$0xFFFFFF20];
	[tilespmem:s23+$0x30] =	vst v2  }
0xf1: {  	v2 =	vld [tilespmem:s25+$0xFFFFFF30];
	[tilespmem:s23+$0x40] =	vst v3  }
0xf2: {  	v3 =	vld [tilespmem:s25+$0xFFFFFF40];
	[tilespmem:s23+$0x50] =	vst v4  }
0xf3: {  	v4 =	vld [tilespmem:s25+$0xFFFFFF50];
	[tilespmem:s23+$0x60] =	vst v5  }
0xf4: {  	v5 =	vld [tilespmem:s25+$0xFFFFFF60]  }
0xf5: {  	v7 =	vld [tilespmem:s25+$0xFFFFFF70]  }
0xf6: {  	v6 =	vld.idx.msk [tilespmem:v6+s3+$0x0], $0xffff  }
0xf7: {  	v8 =	vld [tilespmem:s25+$0x0]  }
0xf8: {  	v9 =	vld [tilespmem:s25+$0x10]  }
0xf9: {  	v10 =	vld [tilespmem:s25+$0x20]  }
0xfa: {  	v11 =	vld [tilespmem:s25+$0x30]  }
0xfb: {  	s23 =	sadd.s32 $0x200, s23;
	v12 =	vld [tilespmem:s25+$0x40]  }
0xfc: {  	v13 =	vld [tilespmem:s25+$0x50];
	[tilespmem:s23+$0x70] =	vst v6  }
0xfd: {  	v6 =	vld [tilespmem:s25+$0x60]  }
0xfe: {  	v14 =	vld [tilespmem:s25+$0xFFFFFF00]  }
0xff: {  	v0 =	vld.idx.msk [tilespmem:v0+s3+$0x0], $0xffff  }
0x100: {  	v1 =	vld.idx.msk [tilespmem:v1+s3+$0x0], $0xffff  }
0x101: {  	v2 =	vld.idx.msk [tilespmem:v2+s3+$0x0], $0xffff  }
0x102: {  	v3 =	vld.idx.msk [tilespmem:v3+s3+$0x0], $0xffff  }
0x103: {  	v4 =	vld.idx.msk [tilespmem:v4+s3+$0x0], $0xffff  }
0x104: {  	v5 =	vld.idx.msk [tilespmem:v5+s3+$0x0], $0xffff  }
0x105: {  	[tilespmem:s23+$0xFFFFFF10] =	vst v0;
	v7 =	vld.idx.msk [tilespmem:v7+s3+$0x0], $0xffff  }
0x106: {  	v14 =	vld.idx.msk [tilespmem:v14+s3+$0x0], $0xffff;
	[tilespmem:s23+$0xFFFFFF20] =	vst v1  }
0x107: {  	[tilespmem:s23+$0xFFFFFF30] =	vst v2;
	v8 =	vld.idx.msk [tilespmem:v8+s3+$0x0], $0xffff  }
0x108: {  	[tilespmem:s23+$0xFFFFFF40] =	vst v3;
	v0 =	vld.idx.msk [tilespmem:v9+s3+$0x0], $0xffff  }
.Ltmp1:
0x109: {  	[tilespmem:s23+$0xFFFFFF50] =	vst v4;
	v1 =	vld.idx.msk [tilespmem:v10+s3+$0x0], $0xffff;
	(pc) =	sbr.rel @p1 .LBB2_6-.Ltmp1, $4  }
0x10a: {  	[tilespmem:s23+$0xFFFFFF60] =	vst v5;
	v2 =	vld.idx.msk [tilespmem:v11+s3+$0x0], $0xffff  }
0x10b: {  	[tilespmem:s23+$0xFFFFFF70] =	vst v7;
	v3 =	vld.idx.msk [tilespmem:v12+s3+$0x0], $0xffff  }
0x10c: {  	[tilespmem:s23+$0xFFFFFF00] =	vst v14;
	v4 =	vld.idx.msk [tilespmem:v13+s3+$0x0], $0xffff  }
0x10d: {  	s25 =	sadd.s32 $0x200, s25;
	[tilespmem:s23+$0x0] =	vst v8;
	v5 =	vld.idx.msk [tilespmem:v6+s3+$0x0], $0xffff  }
0x10e: {  	[tilespmem:s23+$0x10] =	vst v0  }
0x10f: {  	[tilespmem:s23+$0x20] =	vst v1  }
0x110: {  	[tilespmem:s23+$0x30] =	vst v2  }
0x111: {  	[tilespmem:s23+$0x40] =	vst v3  }
0x112: {  	[tilespmem:s23+$0x50] =	vst v4  }
0x113: {  	[tilespmem:s23+$0x60] =	vst v5;
	s23 =	simm.s32 @!p0 $0x3  }
0x114: {  	s22 =	sor.u32 s22, s21;
	_ =	swait.ge @!p0 [sflag:s23], $0x800  }
0x115: {  	s22 =	sshrl.u32 s22, $0x3;
	[sflag:s23] =	ssyncset.done @!p0 $0x0  }
0x116: {  	s22 =	sadd.s32 s5, s22;
	[sflag:s23] =	ssyncadd.s32 @!p0 $0xFFFFF800  }
0x117: {  	[hbm4b:s22+s3] =	stream.linear.scatter [tilespmem:s0], [sflag:$0x3], $0x80, $0x38;
	[tilespmem:$0x1A700] =	vst v63  }
0x118: {  	s25 =	sadd.s32 $0x80, s22  }
0x119: {  	[hbm4b:s25+s3] =	stream.linear.scatter [tilespmem:s2], [sflag:$0x3], $0x80, $0x38;
	[tilespmem:$0x1A700] =	vst v63  }
0x11a: {  	s28 =	sadd.s32 $0x100, s22  }
0x11b: {  	[hbm4b:s28+s3] =	stream.linear.scatter [tilespmem:s7], [sflag:$0x3], $0x80, $0x38;
	[tilespmem:$0x1A700] =	vst v63  }
0x11c: {  	s24 =	sadd.s32 $0x180, s22  }
0x11d: {  	[hbm4b:s24+s3] =	stream.linear.scatter [tilespmem:s1], [sflag:$0x3], $0x80, $0x38;
	[tilespmem:$0x1A700] =	vst v63  }
0x11e: {  	s25 =	sadd.s32 $0x200, s22  }
0x11f: {  	[hbm4b:s25+s3] =	stream.linear.scatter [tilespmem:s8], [sflag:$0x3], $0x80, $0x38;
	[tilespmem:$0x1A700] =	vst v63  }
0x120: {  	s28 =	sadd.s32 $0x280, s22  }
0x121: {  	[hbm4b:s28+s3] =	stream.linear.scatter [tilespmem:s9], [sflag:$0x3], $0x80, $0x38;
	[tilespmem:$0x1A700] =	vst v63  }
0x122: {  	s24 =	sadd.s32 $0x300, s22  }
0x123: {  	[hbm4b:s24+s3] =	stream.linear.scatter [tilespmem:s6], [sflag:$0x3], $0x80, $0x38;
	[tilespmem:$0x1A700] =	vst v63  }
0x124: {  	s25 =	sadd.s32 $0x380, s22  }
0x125: {  	[hbm4b:s25+s3] =	stream.linear.scatter [tilespmem:s10], [sflag:$0x3], $0x80, $0x38;
	[tilespmem:$0x1A700] =	vst v63  }
0x126: {  	s28 =	sadd.s32 $0x400, s22  }
0x127: {  	[hbm4b:s28+s3] =	stream.linear.scatter [tilespmem:s11], [sflag:$0x3], $0x80, $0x38;
	[tilespmem:$0x1A700] =	vst v63  }
0x128: {  	s24 =	sadd.s32 $0x480, s22  }
0x129: {  	[hbm4b:s24+s3] =	stream.linear.scatter [tilespmem:s12], [sflag:$0x3], $0x80, $0x38;
	[tilespmem:$0x1A700] =	vst v63  }
0x12a: {  	s25 =	sadd.s32 $0x500, s22  }
0x12b: {  	[hbm4b:s25+s3] =	stream.linear.scatter [tilespmem:s13], [sflag:$0x3], $0x80, $0x38;
	[tilespmem:$0x1A700] =	vst v63  }
0x12c: {  	s28 =	sadd.s32 $0x580, s22  }
0x12d: {  	[hbm4b:s28+s3] =	stream.linear.scatter [tilespmem:s14], [sflag:$0x3], $0x80, $0x38;
	[tilespmem:$0x1A700] =	vst v63  }
0x12e: {  	s19 =	sadd.s32 $0x1, s19;
	s24 =	sadd.s32 $0x600, s22  }
0x12f: {  	[hbm4b:s24+s3] =	stream.linear.scatter [tilespmem:s15], [sflag:$0x3], $0x80, $0x38;
	[tilespmem:$0x1A700] =	vst v63  }
0x130: {  	p0 =	sne.s32 s19, $0x4;
	s25 =	sadd.s32 $0x680, s22  }
0x131: {  	[hbm4b:s25+s3] =	stream.linear.scatter [tilespmem:s16], [sflag:$0x3], $0x80, $0x38;
	[tilespmem:$0x1A700] =	vst v63  }
.Ltmp2:
0x132: {  	_ = 	snop;
	(pc) =	sbr.rel @p0 .LBB2_3-.Ltmp2, $4  }
0x133: {  	s28 =	sadd.s32 $0x700, s22  }
0x134: {  	[hbm4b:s28+s3] =	stream.linear.scatter [tilespmem:s17], [sflag:$0x3], $0x80, $0x38;
	[tilespmem:$0x1A700] =	vst v63  }
0x135: {  	s22 =	sadd.s32 $0x780, s22  }
0x136: {  	[hbm4b:s22+s3] =	stream.linear.scatter [tilespmem:s18], [sflag:$0x3], $0x80, $0x38;
	[tilespmem:$0x1A700] =	vst v63  }
0x137: {  	s19 =	simm.s32 $0x2  }
0x138: {  	_ =	swait.ge [sflag:s19], $0x800  }
0x139: {  	[sflag:s19] =	ssyncset.done $0x0  }
0x13a: {  	s28 =	simm.s32 $0x3;
	[sflag:s19] =	ssyncadd.s32 $0xFFFFF800  }
0x13b: {  	_ =	swait.ge [sflag:s28], $0x800  }
0x13c: {  	s20 =	rddreg [dreg:$0x6]  }
0x13d: {  	s20 =	sadd.s32 $0x1, s20  }
0x13e: {  	p0 =	sne.s32 s20, $0xD  }
.Ltmp3:
0x13f: {  	_ = 	snop;
	(pc) =	sbr.rel @p0 .LBB2_2-.Ltmp3, $3  }
0x140: {  	_ =	sdelay $0x1  }
0x141: {  	[sflag:s28] =	ssyncset.done $0x0  }
0x142: {  	[sflag:s28] =	ssyncadd.s32 $0xFFFFF800  }
0x143: {  	s20 =	rddreg [dreg:$0x5]  }
0x144: {  	s19 =	rddreg [dreg:$0x4];
	s20 =	sadd.s32 $0x1, s20  }
0x145: {  	p0 =	sne.s32 s20, s19  }
.Ltmp4:
0x146: {  	_ = 	snop;
	(pc) =	sbr.rel @p0 .LBB2_1-.Ltmp4, $1  }
0x147: {  	_ =	sdelay $0x3  }
0x148: {  	_ =	sfence.sel $0x180000  }
0x149: {  	[bflag:$0x0] =	sbarrier.arrive $0xFFFF  }
0x14a: {  	_ =	strace $0x90000047  }
0x14b: {  	s0 =	stileid.u32;
	[bflag:$0x2] =	sbarrier.arrive $0xFFFF  }
0x14c: {  	p0 =	sne.s32 s0, $0x0;
	s0 =	rddreg [dreg:$0x2]  }
0x14d: {  	s0 =	sadd.s32 @!p0 $0x100000, s0  }
0x14e: {  	[sflag:s0] =	ssyncadd.tile.s32 @!p0 $0x1;
	_ =	shalt  }
.Lfunc_end2:
_tile_overlayer_lowered:
.L_overlay_start_2:
0x14f: {  	(tag) =	ssettag $0x2  }
0x150: {  	s0 =	rddreg [dreg:$0x0];
	s2 =	stileid.u32  }
0x151: {  	s1 =	rddreg [dreg:$0x1];
	p0 =	sne.s32 s2, $0x0  }
0x152: {  	s3 =	rddreg [dreg:$0x2];
	[bflag:$0x3] =	sbarrier.arrive $0xFFFF;
	s2 =	simm.s32 @!p0 $0x1C04  }
0x153: {  	[timem:s3], [sflag:s2] =	dma.local @!p0 [hbm:s0], s1  }
0x154: {  	s0 =	simm.s32 @!p0 $0x4  }
0x155: {  	_ =	swait.ge @!p0 [sflag:s0], s1  }
0x156: {  	s1 =	ssub.s32 @!p0 $0x0, s1;
	[sflag:s0] =	ssyncset.done @!p0 $0x0  }
0x157: {  	[sflag:s0] =	ssyncadd.s32 @!p0 s1  }
0x158: {  	[bflag:$0x3] =	sbarrier.arrive $0xFFFF  }
0x159: {  	_ =	shalt  }

</sc_bundles>
